<compile_context>
chip_gen: v7x
topology: tpu7x:2x2x1
jax: 0.10.2.dev20260603
libtpu: 0.0.44.dev20260713+nightly
codegen_flags: <defaults>
</compile_context>

<pallas_src>
import functools

import jax
import jax.numpy as jnp
import numpy as np
from jax.experimental import pallas as pl
from jax.experimental.pallas import tpu as pltpu

_BN_EPS = 1e-4


def _bn(x, p):
    return (x - p["rm"]) / jnp.sqrt(p["rv"] + _BN_EPS) * p["gamma"] + p["beta"]


def _conv_bn_relu(x, p):
    return jax.nn.relu(_bn(x @ p["W"] + p["b"], p))


def _square_distance(src, dst):
    return (jnp.sum(src ** 2, -1)[:, :, None] + jnp.sum(dst ** 2, -1)[:, None, :]
            - 2.0 * jnp.einsum("bnc,bmc->bnm", src, dst))


def _index_points(points, idx):
    return jax.vmap(lambda p, i: p[i])(points, idx)


def _fps_xla(xyz, npoint):
    B, N, _ = xyz.shape

    def body(i, state):
        centroids, distance, farthest = state
        centroids = centroids.at[:, i].set(farthest)
        centroid = _index_points(xyz, farthest[:, None])
        dist = jnp.sum((xyz - centroid) ** 2, -1)
        distance = jnp.minimum(distance, dist)
        farthest = jnp.argmax(distance, axis=-1).astype(jnp.int32)
        return centroids, distance, farthest

    centroids = jnp.zeros((B, npoint), dtype=jnp.int32)
    distance = jnp.full((B, N), 1e10, dtype=jnp.float32)
    farthest = jnp.zeros((B,), dtype=jnp.int32)
    centroids, _, _ = jax.lax.fori_loop(0, npoint, body,
                                        (centroids, distance, farthest))
    return centroids


_FPS_SIZES = (1024, 256, 64, 16)


def _fps_kernel(xyz_ref, o1_ref, o2_ref, o3_ref, o4_ref,
                i1_ref, i2_ref, i3_ref, i4_ref):
    x = xyz_ref[0, 0]
    y = xyz_ref[0, 1]
    z = xyz_ref[0, 2]
    out_refs = (o1_ref, o2_ref, o3_ref, o4_ref)
    idx_refs = (i1_ref, i2_ref, i3_ref, i4_ref)
    for p, out_ref, idx_ref in zip(_FPS_SIZES, out_refs, idx_refs):
        m = x.shape[1]
        s8 = p // 8
        idx2d = (jax.lax.broadcasted_iota(jnp.int32, (8, m), 0) * m
                 + jax.lax.broadcasted_iota(jnp.int32, (8, m), 1))
        oidx2d = (jax.lax.broadcasted_iota(jnp.int32, (8, s8), 0) * s8
                  + jax.lax.broadcasted_iota(jnp.int32, (8, s8), 1))

        def body(i, st, x=x, y=y, z=z, idx2d=idx2d, oidx2d=oidx2d):
            dist, far, nx, ny, nz, ia = st
            sel = idx2d == far
            cx = jnp.sum(jnp.where(sel, x, 0.0))
            cy = jnp.sum(jnp.where(sel, y, 0.0))
            cz = jnp.sum(jnp.where(sel, z, 0.0))
            oh = oidx2d == i
            nx = jnp.where(oh, cx, nx)
            ny = jnp.where(oh, cy, ny)
            nz = jnp.where(oh, cz, nz)
            ia = jnp.where(oh, far, ia)
            d = (x - cx) ** 2 + (y - cy) ** 2
            d = d + (z - cz) ** 2
            dist = jnp.minimum(dist, d)
            mx = jnp.max(dist)
            cand = jnp.where(dist == mx, idx2d, jnp.int32(2 ** 30))
            far = jnp.min(cand)
            return dist, far, nx, ny, nz, ia

        init = (jnp.full((8, m), 1e10, jnp.float32), jnp.int32(0),
                jnp.zeros((8, s8), jnp.float32), jnp.zeros((8, s8), jnp.float32),
                jnp.zeros((8, s8), jnp.float32), jnp.zeros((8, s8), jnp.int32))
        _, _, nx, ny, nz, ia = jax.lax.fori_loop(0, p, body, init)
        out_ref[0, 0] = nx
        out_ref[0, 1] = ny
        out_ref[0, 2] = nz
        idx_ref[0] = ia
        x, y, z = nx, ny, nz


def _fps_all(xyz_t):
    B, _, N = xyz_t.shape
    xyz4 = xyz_t.reshape(B, 3, 8, N // 8)
    outs = pl.pallas_call(
        _fps_kernel,
        grid=(B,),
        in_specs=[pl.BlockSpec((1, 3, 8, N // 8), lambda b: (b, 0, 0, 0))],
        out_specs=[pl.BlockSpec((1, 3, 8, s // 8), lambda b: (b, 0, 0, 0))
                   for s in _FPS_SIZES]
                  + [pl.BlockSpec((1, 8, s // 8), lambda b: (b, 0, 0))
                     for s in _FPS_SIZES],
        out_shape=[jax.ShapeDtypeStruct((B, 3, 8, s // 8), jnp.float32)
                   for s in _FPS_SIZES]
                  + [jax.ShapeDtypeStruct((B, 8, s // 8), jnp.int32)
                     for s in _FPS_SIZES],
    )(xyz4)
    return [o.reshape(B, 3, -1).transpose(0, 2, 1) for o in outs[:4]]


def _ball_query(radius, nsample, xyz, new_xyz):
    B, N, _ = xyz.shape
    S = new_xyz.shape[1]
    sqrdists = _square_distance(new_xyz, xyz)
    idx = jnp.broadcast_to(jnp.arange(N, dtype=jnp.int32), (B, S, N))
    idx = jnp.where(sqrdists > radius ** 2, N, idx)
    neg_vals, _ = jax.lax.top_k(-idx, nsample)
    gi = -neg_vals
    first = gi[:, :, :1]
    gi = jnp.where(gi == N, jnp.broadcast_to(first, gi.shape), gi)
    return jnp.minimum(gi, N - 1)


def _sa(xyz, points, new_xyz, radius, nsample, mlp):
    idx = _ball_query(radius, nsample, xyz, new_xyz)
    grouped_xyz = _index_points(xyz, idx) - new_xyz[:, :, None, :]
    x = jnp.concatenate([grouped_xyz, _index_points(points, idx)], axis=-1)
    for p in mlp:
        x = _conv_bn_relu(x, p)
    return new_xyz, jnp.max(x, axis=2)


def _fold_mlp(mlp):
    out = []
    for p in mlp:
        inv = 1.0 / jnp.sqrt(p["rv"] + _BN_EPS)
        scale = p["gamma"] * inv
        shift = p["beta"] - p["rm"] * inv * p["gamma"]
        out.append((p["W"] * scale[None, :], p["b"] * scale + shift))
    return out


def _fp(xyz1, xyz2, points1, points2, mlp, heads=None, rows=None):
    B, n, _ = xyz1.shape
    m = xyz2.shape[1]
    c2 = points2.shape[2]
    c1 = 0 if points1 is None else points1.shape[2]
    ws = _fold_mlp(mlp)
    rows = rows or n
    dists = _square_distance(xyz1, xyz2)

    n_w = len(ws)

    def kern(*refs):
        d_ref, p2_ref = refs[0], refs[1]
        i = 2
        p1_ref = None
        if c1:
            p1_ref = refs[i]
            i += 1
        w_refs = refs[i:i + 2 * n_w]
        i += 2 * n_w
        if heads is not None:
            h_refs = refs[i:i + 8]
            i += 8
        out_refs = refs[i:]

        dist = d_ref[0]
        iota = jax.lax.broadcasted_iota(jnp.int32, dist.shape, 1)
        d0 = dist
        vs, js = [], []
        for _ in range(3):
            v = jnp.min(d0, axis=1, keepdims=True)
            j = jnp.min(jnp.where(d0 == v, iota, jnp.int32(m)), axis=1,
                        keepdims=True)
            vs.append(v)
            js.append(j)
            d0 = jnp.where(iota == j, jnp.float32(jnp.inf), d0)
        r0, r1, r2 = (1.0 / (v + 1e-8) for v in vs)
        norm = (r0 + r1) + r2
        wm = jnp.zeros(dist.shape, jnp.float32)
        for r, j in zip((r0, r1, r2), js):
            wm = wm + jnp.where(iota == j, r / norm, 0.0)
        interp = jnp.dot(wm, p2_ref[0], preferred_element_type=jnp.float32,
                        precision=jax.lax.Precision.HIGHEST)

        w0, b0 = w_refs[0][...], w_refs[1][...]
        acc = jnp.dot(interp, w0[c1:], preferred_element_type=jnp.float32,
                        precision=jax.lax.Precision.HIGHEST)
        if c1:
            acc = jnp.dot(p1_ref[0], w0[:c1],
                          preferred_element_type=jnp.float32,
                        precision=jax.lax.Precision.HIGHEST) + acc
        x = jnp.maximum(acc + b0, 0.0)
        for li in range(1, n_w):
            w, b = w_refs[2 * li][...], w_refs[2 * li + 1][...]
            x = jnp.maximum(jnp.dot(x, w, preferred_element_type=jnp.float32,
                        precision=jax.lax.Precision.HIGHEST)
                            + b, 0.0)
        out_refs[0][0] = x
        if heads is not None:
            wsh, bsh, wso, bso, woh, boh, woo, boo = (r[...] for r in h_refs)
            hs = jnp.maximum(jnp.dot(x, wsh, preferred_element_type=jnp.float32,
                        precision=jax.lax.Precision.HIGHEST) + bsh, 0.0)
            out_refs[1][0] = jnp.dot(hs, wso, preferred_element_type=jnp.float32,
                        precision=jax.lax.Precision.HIGHEST) + bso
            ho = jnp.maximum(jnp.dot(x, woh, preferred_element_type=jnp.float32,
                        precision=jax.lax.Precision.HIGHEST) + boh, 0.0)
            out_refs[2][0] = jnp.dot(ho, woo, preferred_element_type=jnp.float32,
                        precision=jax.lax.Precision.HIGHEST) + boo

    grid = (B, n // rows)
    in_specs = [
        pl.BlockSpec((1, rows, m), lambda b, i: (b, i, 0)),
        pl.BlockSpec((1, m, c2), lambda b, i: (b, 0, 0)),
    ]
    args = [dists, points2]
    if c1:
        in_specs.append(pl.BlockSpec((1, rows, c1), lambda b, i: (b, i, 0)))
        args.append(points1)
    for w, b in ws:
        in_specs.append(pl.BlockSpec(w.shape, lambda b, i: (0, 0)))
        in_specs.append(pl.BlockSpec(b.shape, lambda b, i: (0,)))
        args.extend((w, b))
    cout = ws[-1][0].shape[1]
    out_specs = [pl.BlockSpec((1, rows, cout), lambda b, i: (b, i, 0))]
    out_shape = [jax.ShapeDtypeStruct((B, n, cout), jnp.float32)]
    if heads is not None:
        for h in heads:
            in_specs.append(pl.BlockSpec(h.shape,
                                         (lambda b, i: (0, 0)) if h.ndim == 2
                                         else (lambda b, i: (0,))))
            args.append(h)
        out_specs += [pl.BlockSpec((1, rows, 2), lambda b, i: (b, i, 0)),
                      pl.BlockSpec((1, rows, 3), lambda b, i: (b, i, 0))]
        out_shape += [jax.ShapeDtypeStruct((B, n, 2), jnp.float32),
                      jax.ShapeDtypeStruct((B, n, 3), jnp.float32)]
    res = pl.pallas_call(kern, grid=grid, in_specs=in_specs,
                         out_specs=out_specs, out_shape=out_shape)(*args)
    return res if heads is not None else res[0]


def kernel(coords, feats, params):
    l0_xyz = jnp.transpose(coords, (0, 2, 1))
    l0_points = jnp.transpose(feats, (0, 2, 1))
    nx1 = _index_points(l0_xyz, _fps_xla(l0_xyz, 1024))
    l1_xyz, l1_points = _sa(l0_xyz, l0_points, nx1, 0.1, 32, params["sa1"])
    nx2 = _index_points(l1_xyz, _fps_xla(l1_xyz, 256))
    l2_xyz, l2_points = _sa(l1_xyz, l1_points, nx2, 0.2, 32, params["sa2"])
    nx3 = _index_points(l2_xyz, _fps_xla(l2_xyz, 64))
    l3_xyz, l3_points = _sa(l2_xyz, l2_points, nx3, 0.4, 32, params["sa3"])
    nx4 = _index_points(l3_xyz, _fps_xla(l3_xyz, 16))
    l4_xyz, l4_points = _sa(l3_xyz, l3_points, nx4, 0.8, 32, params["sa4"])
    l3_points = _fp(l3_xyz, l4_xyz, l3_points, l4_points, params["fp4"])
    l2_points = _fp(l2_xyz, l3_xyz, l2_points, l3_points, params["fp3"])
    l1_points = _fp(l1_xyz, l2_xyz, l1_points, l2_points, params["fp2"], rows=512)
    hsem = _fold_mlp([params["sem_hidden"]])[0]
    hoff = _fold_mlp([params["off_hidden"]])[0]
    heads = (hsem[0], hsem[1], params["sem_out"]["W"], params["sem_out"]["b"],
             hoff[0], hoff[1], params["off_out"]["W"], params["off_out"]["b"])
    l0_points, sem, off = _fp(l0_xyz, l1_xyz, None, l1_points, params["fp1"],
                              heads=heads, rows=512)
    backbone_feats = jnp.transpose(l0_points, (0, 2, 1))
    semantic_prediction_logits = jnp.transpose(sem, (0, 2, 1))
    offset_predictions = jnp.transpose(off, (0, 2, 1))
    return backbone_feats, semantic_prediction_logits, offset_predictions

# --- scband reference (transcript-rebuilt; emitter-appended) ---
"""Pipeline reference for scband-point-net2-70428873720161 (READ-ONLY COPY).

The authoritative reference and input builder live on the scoring server;
editing this copy changes nothing except your own understanding.
"""

import jax, jax.numpy as jnp
import numpy as np

_BN_EPS = 1e-4


def _mk(key, cin, cout, bn=True):
    d = {"W": jax.random.normal(key, (cin, cout), dtype=jnp.float32) / np.sqrt(cin),
         "b": jnp.zeros((cout,), jnp.float32)}
    if bn:
        d["gamma"] = jnp.ones((cout,), jnp.float32)
        d["beta"] = jnp.zeros((cout,), jnp.float32)
        d["rm"] = jnp.zeros((cout,), jnp.float32)
        d["rv"] = jnp.ones((cout,), jnp.float32)
    return d


def _mlp(key, chans, bn=True):
    return [_mk(jax.random.fold_in(key, i), ci, co, bn=bn) for i, (ci, co) in enumerate(chans)]


def make_params(key):
    ks = [jax.random.fold_in(key, 100 + i) for i in range(12)]
    return {
        "sa1": _mlp(ks[0], [(7, 32), (32, 32), (32, 64)]),
        "sa2": _mlp(ks[1], [(67, 64), (64, 64), (64, 128)]),
        "sa3": _mlp(ks[2], [(131, 128), (128, 128), (128, 256)]),
        "sa4": _mlp(ks[3], [(259, 256), (256, 256), (256, 512)]),
        "fp4": _mlp(ks[4], [(768, 256), (256, 256)]),
        "fp3": _mlp(ks[5], [(384, 256), (256, 256)]),
        "fp2": _mlp(ks[6], [(320, 256), (256, 128)]),
        "fp1": _mlp(ks[7], [(128, 128), (128, 128), (128, 128)]),
        "sem_hidden": _mk(ks[8], 128, 128),
        "sem_out": _mk(ks[9], 128, 2, bn=False),
        "off_hidden": _mk(ks[10], 128, 128),
        "off_out": _mk(ks[11], 128, 3, bn=False),
    }


def setup_inputs(seed: int = 0):
    key = jax.random.key(seed)
    B, N, dim_feat = 2, 16384, 4
    coords = jax.random.normal(jax.random.fold_in(key, 0), (B, 3, N), dtype=jnp.float32)
    feats = jax.random.normal(jax.random.fold_in(key, 1), (B, dim_feat, N), dtype=jnp.float32)
    return {"coords": coords, "feats": feats, "params": make_params(key)}


def _bn(x, p):
    return (x - p["rm"]) / jnp.sqrt(p["rv"] + _BN_EPS) * p["gamma"] + p["beta"]


def _conv_bn_relu(x, p):
    return jax.nn.relu(_bn(x @ p["W"] + p["b"], p))


def _square_distance(src, dst):
    return (jnp.sum(src ** 2, -1)[:, :, None] + jnp.sum(dst ** 2, -1)[:, None, :]
            - 2.0 * jnp.einsum("bnc,bmc->bnm", src, dst))


def _index_points(points, idx):
    return jax.vmap(lambda p, i: p[i])(points, idx)


def _farthest_point_sample(xyz, npoint):
    B, N, _ = xyz.shape

    def body(i, state):
        centroids, distance, farthest = state
        centroids = centroids.at[:, i].set(farthest)
        centroid = _index_points(xyz, farthest[:, None])
        dist = jnp.sum((xyz - centroid) ** 2, -1)
        distance = jnp.minimum(distance, dist)
        farthest = jnp.argmax(distance, axis=-1).astype(jnp.int32)
        return centroids, distance, farthest

    centroids = jnp.zeros((B, npoint), dtype=jnp.int32)
    distance = jnp.full((B, N), 1e10, dtype=jnp.float32)
    farthest = jnp.zeros((B,), dtype=jnp.int32)
    centroids, _, _ = jax.lax.fori_loop(0, npoint, body, (centroids, distance, farthest))
    return centroids


def _query_ball_point(radius, nsample, xyz, new_xyz):
    B, N, _ = xyz.shape
    S = new_xyz.shape[1]
    sqrdists = _square_distance(new_xyz, xyz)
    idx = jnp.broadcast_to(jnp.arange(N, dtype=jnp.int32), (B, S, N))
    idx = jnp.where(sqrdists > radius ** 2, N, idx)
    neg_vals, _ = jax.lax.top_k(-idx, nsample)
    group_idx = -neg_vals
    first = group_idx[:, :, :1]
    group_idx = jnp.where(group_idx == N, jnp.broadcast_to(first, group_idx.shape), group_idx)
    return jnp.minimum(group_idx, N - 1)


def _set_abstraction(xyz, points, npoint, radius, nsample, mlp):
    xyz_sg = jax.lax.stop_gradient(xyz)
    fps_idx = _farthest_point_sample(xyz_sg, npoint)
    new_xyz = _index_points(xyz, fps_idx)
    idx = _query_ball_point(radius, nsample, xyz_sg, jax.lax.stop_gradient(new_xyz))
    grouped_xyz = _index_points(xyz, idx) - new_xyz[:, :, None, :]
    if points is not None:
        new_points = jnp.concatenate([grouped_xyz, _index_points(points, idx)], axis=-1)
    else:
        new_points = grouped_xyz
    x = new_points
    for p in mlp:
        x = _conv_bn_relu(x, p)
    return new_xyz, jnp.max(x, axis=2)


def _feature_propagation(xyz1, xyz2, points1, points2, mlp):
    dists = _square_distance(xyz1, xyz2)
    neg, idx = jax.lax.top_k(-dists, 3)
    d = -neg
    dist_recip = 1.0 / (d + 1e-8)
    weight = dist_recip / jnp.sum(dist_recip, axis=2, keepdims=True)
    interpolated = jnp.sum(_index_points(points2, idx) * weight[..., None], axis=2)
    new_points = interpolated if points1 is None else jnp.concatenate([points1, interpolated], axis=-1)
    x = new_points
    for p in mlp:
        x = _conv_bn_relu(x, p)
    return x


def _backbone(coords, feats, params):
    l0_xyz = jnp.transpose(coords, (0, 2, 1))
    l0_points = jnp.transpose(feats, (0, 2, 1))
    l1_xyz, l1_points = _set_abstraction(l0_xyz, l0_points, 1024, 0.1, 32, params["sa1"])
    l2_xyz, l2_points = _set_abstraction(l1_xyz, l1_points, 256, 0.2, 32, params["sa2"])
    l3_xyz, l3_points = _set_abstraction(l2_xyz, l2_points, 64, 0.4, 32, params["sa3"])
    l4_xyz, l4_points = _set_abstraction(l3_xyz, l3_points, 16, 0.8, 32, params["sa4"])
    l3_points = _feature_propagation(l3_xyz, l4_xyz, l3_points, l4_points, params["fp4"])
    l2_points = _feature_propagation(l2_xyz, l3_xyz, l2_points, l3_points, params["fp3"])
    l1_points = _feature_propagation(l1_xyz, l2_xyz, l1_points, l2_points, params["fp2"])
    l0_points = _feature_propagation(l0_xyz, l1_xyz, None, l1_points, params["fp1"])
    return l0_points


def _heads(bb, params):
    sem = _conv_bn_relu(bb, params["sem_hidden"]) @ params["sem_out"]["W"] + params["sem_out"]["b"]
    off = _conv_bn_relu(bb, params["off_hidden"]) @ params["off_out"]["W"] + params["off_out"]["b"]
    return sem, off


def reference(coords, feats, params):
    bb = _backbone(coords, feats, params)
    sem, off = _heads(bb, params)
    backbone_feats = jnp.transpose(bb, (0, 2, 1))
    semantic_prediction_logits = jnp.transpose(sem, (0, 2, 1))
    offset_predictions = jnp.transpose(off, (0, 2, 1))
    return backbone_feats, semantic_prediction_logits, offset_predictions

if __name__ == "__main__":
    import jax
    _d = setup_inputs()
    print(jax.jit(kernel)(*tuple(_d.values())))

</pallas_src>

<mosaic_0001>
module attributes {stable_mosaic.version = 14 : i64} {
  func.func @kern(%arg0: i32, %arg1: i32, %arg2: memref<1x64x16xf32, #tpu.memory_space<vmem>>, %arg3: memref<1x16x512xf32, #tpu.memory_space<vmem>>, %arg4: memref<1x64x256xf32, #tpu.memory_space<vmem>>, %arg5: memref<768x256xf32, #tpu.memory_space<vmem>>, %arg6: memref<256xf32, #tpu.memory_space<vmem>>, %arg7: memref<256x256xf32, #tpu.memory_space<vmem>>, %arg8: memref<256xf32, #tpu.memory_space<vmem>>, %arg9: memref<1x64x256xf32, #tpu.memory_space<vmem>>) attributes {dimension_semantics = [#tpu.dimension_semantics<arbitrary>, #tpu.dimension_semantics<arbitrary>], iteration_bounds = array<i64: 2, 1>, scalar_prefetch = 0 : i64, scratch_operands = 0 : i64, tpu.core_type = #tpu.core_type<tc>, window_params = [{transform_indices = @transform_0, window_bounds = array<i64: 1, 64, 16>}, {transform_indices = @transform_1, window_bounds = array<i64: 1, 16, 512>}, {transform_indices = @transform_2, window_bounds = array<i64: 1, 64, 256>}, {pipeline_mode = #tpu.pipeline_mode<synchronous>, transform_indices = @transform_3, window_bounds = array<i64: 768, 256>}, {pipeline_mode = #tpu.pipeline_mode<synchronous>, transform_indices = @transform_4, window_bounds = array<i64: 256>}, {pipeline_mode = #tpu.pipeline_mode<synchronous>, transform_indices = @transform_5, window_bounds = array<i64: 256, 256>}, {pipeline_mode = #tpu.pipeline_mode<synchronous>, transform_indices = @transform_6, window_bounds = array<i64: 256>}, {transform_indices = @transform_7, window_bounds = array<i64: 1, 64, 256>}]} {
    %get3A = arith.constant 0 : index
    %get3A_0 = arith.constant 0 : index
    %get3A_1 = arith.constant 0 : index
    %get3A_2 = vector.load %arg2[%get3A, %get3A_0, %get3A_1] : memref<1x64x16xf32, #tpu.memory_space<vmem>>, vector<1x64x16xf32>
    %get3A_3 = vector.shape_cast %get3A_2 : vector<1x64x16xf32> to vector<64x16xf32>
    %iota3A = tpu.iota {dimensions = array<i32: 1>} : vector<64x16xi32>
    %reduce_min3A = arith.constant dense<0x7F800000> : vector<64xf32>
    %reduce_min3A_4 = vector.multi_reduction <minimumf>, %get3A_3, %reduce_min3A [1] : vector<64x16xf32> to vector<64xf32>
    %broadcast_in_dim3A = vector.shape_cast %reduce_min3A_4 : vector<64xf32> to vector<64x1xf32>
    %eq3A = vector.broadcast %broadcast_in_dim3A : vector<64x1xf32> to vector<64x16xf32>
    %eq3A_5 = arith.cmpf oeq, %get3A_3, %eq3A : vector<64x16xf32>
    %jit3A = arith.constant 16 : i32
    %broadcast_in_dim3A_6 = vector.broadcast %jit3A : i32 to vector<64x16xi32>
    %select_n3A = arith.select %eq3A_5, %iota3A, %broadcast_in_dim3A_6 : vector<64x16xi1>, vector<64x16xi32>
    %reduce_min3A_7 = arith.constant dense<2147483647> : vector<64xi32>
    %reduce_min3A_8 = vector.multi_reduction <minsi>, %select_n3A, %reduce_min3A_7 [1] : vector<64x16xi32> to vector<64xi32>
    %broadcast_in_dim3A_9 = vector.shape_cast %reduce_min3A_8 : vector<64xi32> to vector<64x1xi32>
    %eq3A_10 = vector.broadcast %broadcast_in_dim3A_9 : vector<64x1xi32> to vector<64x16xi32>
    %eq3A_11 = arith.cmpi eq, %iota3A, %eq3A_10 : vector<64x16xi32>
    %jit3A_12 = arith.constant 0x7F800000 : f32
    %broadcast_in_dim3A_13 = vector.broadcast %jit3A_12 : f32 to vector<64x16xf32>
    %select_n3A_14 = arith.select %eq3A_11, %broadcast_in_dim3A_13, %get3A_3 : vector<64x16xi1>, vector<64x16xf32>
    %reduce_min3A_15 = arith.constant dense<0x7F800000> : vector<64xf32>
    %reduce_min3A_16 = vector.multi_reduction <minimumf>, %select_n3A_14, %reduce_min3A_15 [1] : vector<64x16xf32> to vector<64xf32>
    %broadcast_in_dim3A_17 = vector.shape_cast %reduce_min3A_16 : vector<64xf32> to vector<64x1xf32>
    %eq3A_18 = vector.broadcast %broadcast_in_dim3A_17 : vector<64x1xf32> to vector<64x16xf32>
    %eq3A_19 = arith.cmpf oeq, %select_n3A_14, %eq3A_18 : vector<64x16xf32>
    %jit3A_20 = arith.constant 16 : i32
    %broadcast_in_dim3A_21 = vector.broadcast %jit3A_20 : i32 to vector<64x16xi32>
    %select_n3A_22 = arith.select %eq3A_19, %iota3A, %broadcast_in_dim3A_21 : vector<64x16xi1>, vector<64x16xi32>
    %reduce_min3A_23 = arith.constant dense<2147483647> : vector<64xi32>
    %reduce_min3A_24 = vector.multi_reduction <minsi>, %select_n3A_22, %reduce_min3A_23 [1] : vector<64x16xi32> to vector<64xi32>
    %broadcast_in_dim3A_25 = vector.shape_cast %reduce_min3A_24 : vector<64xi32> to vector<64x1xi32>
    %eq3A_26 = vector.broadcast %broadcast_in_dim3A_25 : vector<64x1xi32> to vector<64x16xi32>
    %eq3A_27 = arith.cmpi eq, %iota3A, %eq3A_26 : vector<64x16xi32>
    %jit3A_28 = arith.constant 0x7F800000 : f32
    %broadcast_in_dim3A_29 = vector.broadcast %jit3A_28 : f32 to vector<64x16xf32>
    %select_n3A_30 = arith.select %eq3A_27, %broadcast_in_dim3A_29, %select_n3A_14 : vector<64x16xi1>, vector<64x16xf32>
    %reduce_min3A_31 = arith.constant dense<0x7F800000> : vector<64xf32>
    %reduce_min3A_32 = vector.multi_reduction <minimumf>, %select_n3A_30, %reduce_min3A_31 [1] : vector<64x16xf32> to vector<64xf32>
    %broadcast_in_dim3A_33 = vector.shape_cast %reduce_min3A_32 : vector<64xf32> to vector<64x1xf32>
    %eq3A_34 = vector.broadcast %broadcast_in_dim3A_33 : vector<64x1xf32> to vector<64x16xf32>
    %eq3A_35 = arith.cmpf oeq, %select_n3A_30, %eq3A_34 : vector<64x16xf32>
    %jit3A_36 = arith.constant 16 : i32
    %broadcast_in_dim3A_37 = vector.broadcast %jit3A_36 : i32 to vector<64x16xi32>
    %select_n3A_38 = arith.select %eq3A_35, %iota3A, %broadcast_in_dim3A_37 : vector<64x16xi1>, vector<64x16xi32>
    %reduce_min3A_39 = arith.constant dense<2147483647> : vector<64xi32>
    %reduce_min3A_40 = vector.multi_reduction <minsi>, %select_n3A_38, %reduce_min3A_39 [1] : vector<64x16xi32> to vector<64xi32>
    %broadcast_in_dim3A_41 = vector.shape_cast %reduce_min3A_40 : vector<64xi32> to vector<64x1xi32>
    %add3A = arith.constant 9.99999993E-9 : f32
    %add3A_42 = vector.broadcast %add3A : f32 to vector<64x1xf32>
    %add3A_43 = arith.addf %broadcast_in_dim3A, %add3A_42 : vector<64x1xf32>
    %div3A = arith.constant 1.000000e+00 : f32
    %div3A_44 = vector.broadcast %div3A : f32 to vector<64x1xf32>
    %div3A_45 = arith.divf %div3A_44, %add3A_43 : vector<64x1xf32>
    %add3A_46 = arith.constant 9.99999993E-9 : f32
    %add3A_47 = vector.broadcast %add3A_46 : f32 to vector<64x1xf32>
    %add3A_48 = arith.addf %broadcast_in_dim3A_17, %add3A_47 : vector<64x1xf32>
    %div3A_49 = arith.constant 1.000000e+00 : f32
    %div3A_50 = vector.broadcast %div3A_49 : f32 to vector<64x1xf32>
    %div3A_51 = arith.divf %div3A_50, %add3A_48 : vector<64x1xf32>
    %add3A_52 = arith.constant 9.99999993E-9 : f32
    %add3A_53 = vector.broadcast %add3A_52 : f32 to vector<64x1xf32>
    %add3A_54 = arith.addf %broadcast_in_dim3A_33, %add3A_53 : vector<64x1xf32>
    %div3A_55 = arith.constant 1.000000e+00 : f32
    %div3A_56 = vector.broadcast %div3A_55 : f32 to vector<64x1xf32>
    %div3A_57 = arith.divf %div3A_56, %add3A_54 : vector<64x1xf32>
    %add3A_58 = arith.addf %div3A_45, %div3A_51 : vector<64x1xf32>
    %add3A_59 = arith.addf %add3A_58, %div3A_57 : vector<64x1xf32>
    %broadcast_in_dim3A_60 = arith.constant 0.000000e+00 : f32
    %broadcast_in_dim3A_61 = vector.broadcast %broadcast_in_dim3A_60 : f32 to vector<64x16xf32>
    %eq3A_62 = vector.broadcast %broadcast_in_dim3A_9 : vector<64x1xi32> to vector<64x16xi32>
    %eq3A_63 = arith.cmpi eq, %iota3A, %eq3A_62 : vector<64x16xi32>
    %div3A_64 = arith.divf %div3A_45, %add3A_59 : vector<64x1xf32>
    %jit3A_65 = arith.constant 0.000000e+00 : f32
    %broadcast_in_dim3A_66 = vector.shape_cast %div3A_64 : vector<64x1xf32> to vector<64x1xf32>
    %broadcast_in_dim3A_67 = vector.broadcast %broadcast_in_dim3A_66 : vector<64x1xf32> to vector<64x16xf32>
    %broadcast_in_dim3A_68 = vector.broadcast %jit3A_65 : f32 to vector<64x16xf32>
    %select_n3A_69 = arith.select %eq3A_63, %broadcast_in_dim3A_67, %broadcast_in_dim3A_68 : vector<64x16xi1>, vector<64x16xf32>
    %add3A_70 = arith.addf %broadcast_in_dim3A_61, %select_n3A_69 : vector<64x16xf32>
    %eq3A_71 = vector.broadcast %broadcast_in_dim3A_25 : vector<64x1xi32> to vector<64x16xi32>
    %eq3A_72 = arith.cmpi eq, %iota3A, %eq3A_71 : vector<64x16xi32>
    %div3A_73 = arith.divf %div3A_51, %add3A_59 : vector<64x1xf32>
    %jit3A_74 = arith.constant 0.000000e+00 : f32
    %broadcast_in_dim3A_75 = vector.shape_cast %div3A_73 : vector<64x1xf32> to vector<64x1xf32>
    %broadcast_in_dim3A_76 = vector.broadcast %broadcast_in_dim3A_75 : vector<64x1xf32> to vector<64x16xf32>
    %broadcast_in_dim3A_77 = vector.broadcast %jit3A_74 : f32 to vector<64x16xf32>
    %select_n3A_78 = arith.select %eq3A_72, %broadcast_in_dim3A_76, %broadcast_in_dim3A_77 : vector<64x16xi1>, vector<64x16xf32>
    %add3A_79 = arith.addf %add3A_70, %select_n3A_78 : vector<64x16xf32>
    %eq3A_80 = vector.broadcast %broadcast_in_dim3A_41 : vector<64x1xi32> to vector<64x16xi32>
    %eq3A_81 = arith.cmpi eq, %iota3A, %eq3A_80 : vector<64x16xi32>
    %div3A_82 = arith.divf %div3A_57, %add3A_59 : vector<64x1xf32>
    %jit3A_83 = arith.constant 0.000000e+00 : f32
    %broadcast_in_dim3A_84 = vector.shape_cast %div3A_82 : vector<64x1xf32> to vector<64x1xf32>
    %broadcast_in_dim3A_85 = vector.broadcast %broadcast_in_dim3A_84 : vector<64x1xf32> to vector<64x16xf32>
    %broadcast_in_dim3A_86 = vector.broadcast %jit3A_83 : f32 to vector<64x16xf32>
    %select_n3A_87 = arith.select %eq3A_81, %broadcast_in_dim3A_85, %broadcast_in_dim3A_86 : vector<64x16xi1>, vector<64x16xf32>
    %add3A_88 = arith.addf %add3A_79, %select_n3A_87 : vector<64x16xf32>
    %get3A_89 = arith.constant 0 : index
    %get3A_90 = arith.constant 0 : index
    %get3A_91 = arith.constant 0 : index
    %get3A_92 = vector.load %arg3[%get3A_89, %get3A_90, %get3A_91] : memref<1x16x512xf32, #tpu.memory_space<vmem>>, vector<1x16x512xf32>
    %get3A_93 = vector.shape_cast %get3A_92 : vector<1x16x512xf32> to vector<16x512xf32>
    %dot_general3A = arith.constant dense<0.000000e+00> : vector<64x512xf32>
    %dot_general3A_94 = tpu.matmul %add3A_88, %get3A_93, %dot_general3A {dimension_numbers = #tpu.dot_dimension_numbers<[1], [0], [0], [1], [0, 0, 1, 1], [], []>, precision = #tpu.contract_precision<fp32>, transpose_lhs_hint = false} : vector<64x16xf32>, vector<16x512xf32>, vector<64x512xf32> -> vector<64x512xf32>
    %get3A_95 = arith.constant 0 : index
    %get3A_96 = arith.constant 0 : index
    %get3A_97 = vector.load %arg5[%get3A_95, %get3A_96] : memref<768x256xf32, #tpu.memory_space<vmem>>, vector<768x256xf32>
    %get3A_98 = arith.constant 0 : index
    %get3A_99 = vector.load %arg6[%get3A_98] : memref<256xf32, #tpu.memory_space<vmem>>, vector<256xf32>
    %slice3A = vector.extract_strided_slice %get3A_97 {offsets = [256, 0], sizes = [512, 256], strides = [1, 1]} : vector<768x256xf32> to vector<512x256xf32>
    %dot_general3A_100 = arith.constant dense<0.000000e+00> : vector<64x256xf32>
    %dot_general3A_101 = tpu.matmul %dot_general3A_94, %slice3A, %dot_general3A_100 {dimension_numbers = #tpu.dot_dimension_numbers<[1], [0], [0], [1], [0, 0, 1, 1], [], []>, precision = #tpu.contract_precision<fp32>, transpose_lhs_hint = false} : vector<64x512xf32>, vector<512x256xf32>, vector<64x256xf32> -> vector<64x256xf32>
    %get3A_102 = arith.constant 0 : index
    %get3A_103 = arith.constant 0 : index
    %get3A_104 = arith.constant 0 : index
    %get3A_105 = vector.load %arg4[%get3A_102, %get3A_103, %get3A_104] : memref<1x64x256xf32, #tpu.memory_space<vmem>>, vector<1x64x256xf32>
    %get3A_106 = vector.shape_cast %get3A_105 : vector<1x64x256xf32> to vector<64x256xf32>
    %slice3A_107 = vector.extract_strided_slice %get3A_97 {offsets = [0, 0], sizes = [256, 256], strides = [1, 1]} : vector<768x256xf32> to vector<256x256xf32>
    %dot_general3A_108 = arith.constant dense<0.000000e+00> : vector<64x256xf32>
    %dot_general3A_109 = tpu.matmul %get3A_106, %slice3A_107, %dot_general3A_108 {dimension_numbers = #tpu.dot_dimension_numbers<[1], [0], [0], [1], [0, 0, 1, 1], [], []>, precision = #tpu.contract_precision<fp32>, transpose_lhs_hint = false} : vector<64x256xf32>, vector<256x256xf32>, vector<64x256xf32> -> vector<64x256xf32>
    %add3A_110 = arith.addf %dot_general3A_109, %dot_general3A_101 : vector<64x256xf32>
    %broadcast_in_dim3A_111 = vector.shape_cast %get3A_99 : vector<256xf32> to vector<1x256xf32>
    %add3A_112 = vector.broadcast %broadcast_in_dim3A_111 : vector<1x256xf32> to vector<64x256xf32>
    %add3A_113 = arith.addf %add3A_110, %add3A_112 : vector<64x256xf32>
    %max3A = arith.constant 0.000000e+00 : f32
    %max3A_114 = vector.broadcast %max3A : f32 to vector<64x256xf32>
    %max3A_115 = arith.maximumf %add3A_113, %max3A_114 : vector<64x256xf32>
    %get3A_116 = arith.constant 0 : index
    %get3A_117 = arith.constant 0 : index
    %get3A_118 = vector.load %arg7[%get3A_116, %get3A_117] : memref<256x256xf32, #tpu.memory_space<vmem>>, vector<256x256xf32>
    %get3A_119 = arith.constant 0 : index
    %get3A_120 = vector.load %arg8[%get3A_119] : memref<256xf32, #tpu.memory_space<vmem>>, vector<256xf32>
    %dot_general3A_121 = arith.constant dense<0.000000e+00> : vector<64x256xf32>
    %dot_general3A_122 = tpu.matmul %max3A_115, %get3A_118, %dot_general3A_121 {dimension_numbers = #tpu.dot_dimension_numbers<[1], [0], [0], [1], [0, 0, 1, 1], [], []>, precision = #tpu.contract_precision<fp32>, transpose_lhs_hint = false} : vector<64x256xf32>, vector<256x256xf32>, vector<64x256xf32> -> vector<64x256xf32>
    %broadcast_in_dim3A_123 = vector.shape_cast %get3A_120 : vector<256xf32> to vector<1x256xf32>
    %add3A_124 = vector.broadcast %broadcast_in_dim3A_123 : vector<1x256xf32> to vector<64x256xf32>
    %add3A_125 = arith.addf %dot_general3A_122, %add3A_124 : vector<64x256xf32>
    %max3A_126 = arith.constant 0.000000e+00 : f32
    %max3A_127 = vector.broadcast %max3A_126 : f32 to vector<64x256xf32>
    %max3A_128 = arith.maximumf %add3A_125, %max3A_127 : vector<64x256xf32>
    %swap3A = arith.constant 0 : index
    %swap3A_129 = arith.constant 0 : index
    %swap3A_130 = arith.constant 0 : index
    %swap3A_131 = vector.load %arg9[%swap3A, %swap3A_129, %swap3A_130] : memref<1x64x256xf32, #tpu.memory_space<vmem>>, vector<1x64x256xf32>
    %swap3A_132 = vector.shape_cast %swap3A_131 : vector<1x64x256xf32> to vector<64x256xf32>
    %swap3A_133 = vector.shape_cast %max3A_128 : vector<64x256xf32> to vector<1x64x256xf32>
    tpu.vector_store %arg9[%swap3A, %swap3A_129, %swap3A_130], %swap3A_133 {strides = array<i32>} : memref<1x64x256xf32, #tpu.memory_space<vmem>>, vector<1x64x256xf32>,
    return
  }
  func.func @transform_0(%arg0: i32, %arg1: i32) -> (i32, i32, i32) {
    %c0_i32 = arith.constant 0 : i32
    %c0_i32_0 = arith.constant 0 : i32
    return %arg0, %arg1, %c0_i32 : i32, i32, i32
  }
  func.func @transform_1(%arg0: i32, %arg1: i32) -> (i32, i32, i32) {
    %c0_i32 = arith.constant 0 : i32
    %c0_i32_0 = arith.constant 0 : i32
    %c0_i32_1 = arith.constant 0 : i32
    return %arg0, %c0_i32, %c0_i32_0 : i32, i32, i32
  }
  func.func @transform_2(%arg0: i32, %arg1: i32) -> (i32, i32, i32) {
    %c0_i32 = arith.constant 0 : i32
    %c0_i32_0 = arith.constant 0 : i32
    return %arg0, %arg1, %c0_i32 : i32, i32, i32
  }
  func.func @transform_3(%arg0: i32, %arg1: i32) -> (i32, i32) {
    %c0_i32 = arith.constant 0 : i32
    %c0_i32_0 = arith.constant 0 : i32
    %c0_i32_1 = arith.constant 0 : i32
    return %c0_i32, %c0_i32_0 : i32, i32
  }
  func.func @transform_4(%arg0: i32, %arg1: i32) -> i32 {
    %c0_i32 = arith.constant 0 : i32
    %c0_i32_0 = arith.constant 0 : i32
    return %c0_i32 : i32
  }
  func.func @transform_5(%arg0: i32, %arg1: i32) -> (i32, i32) {
    %c0_i32 = arith.constant 0 : i32
    %c0_i32_0 = arith.constant 0 : i32
    %c0_i32_1 = arith.constant 0 : i32
    return %c0_i32, %c0_i32_0 : i32, i32
  }
  func.func @transform_6(%arg0: i32, %arg1: i32) -> i32 {
    %c0_i32 = arith.constant 0 : i32
    %c0_i32_0 = arith.constant 0 : i32
    return %c0_i32 : i32
  }
  func.func @transform_7(%arg0: i32, %arg1: i32) -> (i32, i32, i32) {
    %c0_i32 = arith.constant 0 : i32
    %c0_i32_0 = arith.constant 0 : i32
    return %arg0, %arg1, %c0_i32 : i32, i32, i32
  }
}

module attributes {stable_mosaic.version = 14 : i64} {
  func.func @kern(%arg0: i32, %arg1: i32, %arg2: memref<1x256x64xf32, #tpu.memory_space<vmem>>, %arg3: memref<1x64x256xf32, #tpu.memory_space<vmem>>, %arg4: memref<1x256x128xf32, #tpu.memory_space<vmem>>, %arg5: memref<384x256xf32, #tpu.memory_space<vmem>>, %arg6: memref<256xf32, #tpu.memory_space<vmem>>, %arg7: memref<256x256xf32, #tpu.memory_space<vmem>>, %arg8: memref<256xf32, #tpu.memory_space<vmem>>, %arg9: memref<1x256x256xf32, #tpu.memory_space<vmem>>) attributes {dimension_semantics = [#tpu.dimension_semantics<arbitrary>, #tpu.dimension_semantics<arbitrary>], iteration_bounds = array<i64: 2, 1>, scalar_prefetch = 0 : i64, scratch_operands = 0 : i64, tpu.core_type = #tpu.core_type<tc>, window_params = [{transform_indices = @transform_0, window_bounds = array<i64: 1, 256, 64>}, {transform_indices = @transform_1, window_bounds = array<i64: 1, 64, 256>}, {transform_indices = @transform_2, window_bounds = array<i64: 1, 256, 128>}, {pipeline_mode = #tpu.pipeline_mode<synchronous>, transform_indices = @transform_3, window_bounds = array<i64: 384, 256>}, {pipeline_mode = #tpu.pipeline_mode<synchronous>, transform_indices = @transform_4, window_bounds = array<i64: 256>}, {pipeline_mode = #tpu.pipeline_mode<synchronous>, transform_indices = @transform_5, window_bounds = array<i64: 256, 256>}, {pipeline_mode = #tpu.pipeline_mode<synchronous>, transform_indices = @transform_6, window_bounds = array<i64: 256>}, {transform_indices = @transform_7, window_bounds = array<i64: 1, 256, 256>}]} {
    %get3A = arith.constant 0 : index
    %get3A_0 = arith.constant 0 : index
    %get3A_1 = arith.constant 0 : index
    %get3A_2 = vector.load %arg2[%get3A, %get3A_0, %get3A_1] : memref<1x256x64xf32, #tpu.memory_space<vmem>>, vector<1x256x64xf32>
    %get3A_3 = vector.shape_cast %get3A_2 : vector<1x256x64xf32> to vector<256x64xf32>
    %iota3A = tpu.iota {dimensions = array<i32: 1>} : vector<256x64xi32>
    %reduce_min3A = arith.constant dense<0x7F800000> : vector<256xf32>
    %reduce_min3A_4 = vector.multi_reduction <minimumf>, %get3A_3, %reduce_min3A [1] : vector<256x64xf32> to vector<256xf32>
    %broadcast_in_dim3A = vector.shape_cast %reduce_min3A_4 : vector<256xf32> to vector<256x1xf32>
    %eq3A = vector.broadcast %broadcast_in_dim3A : vector<256x1xf32> to vector<256x64xf32>
    %eq3A_5 = arith.cmpf oeq, %get3A_3, %eq3A : vector<256x64xf32>
    %jit3A = arith.constant 64 : i32
    %broadcast_in_dim3A_6 = vector.broadcast %jit3A : i32 to vector<256x64xi32>
    %select_n3A = arith.select %eq3A_5, %iota3A, %broadcast_in_dim3A_6 : vector<256x64xi1>, vector<256x64xi32>
    %reduce_min3A_7 = arith.constant dense<2147483647> : vector<256xi32>
    %reduce_min3A_8 = vector.multi_reduction <minsi>, %select_n3A, %reduce_min3A_7 [1] : vector<256x64xi32> to vector<256xi32>
    %broadcast_in_dim3A_9 = vector.shape_cast %reduce_min3A_8 : vector<256xi32> to vector<256x1xi32>
    %eq3A_10 = vector.broadcast %broadcast_in_dim3A_9 : vector<256x1xi32> to vector<256x64xi32>
    %eq3A_11 = arith.cmpi eq, %iota3A, %eq3A_10 : vector<256x64xi32>
    %jit3A_12 = arith.constant 0x7F800000 : f32
    %broadcast_in_dim3A_13 = vector.broadcast %jit3A_12 : f32 to vector<256x64xf32>
    %select_n3A_14 = arith.select %eq3A_11, %broadcast_in_dim3A_13, %get3A_3 : vector<256x64xi1>, vector<256x64xf32>
    %reduce_min3A_15 = arith.constant dense<0x7F800000> : vector<256xf32>
    %reduce_min3A_16 = vector.multi_reduction <minimumf>, %select_n3A_14, %reduce_min3A_15 [1] : vector<256x64xf32> to vector<256xf32>
    %broadcast_in_dim3A_17 = vector.shape_cast %reduce_min3A_16 : vector<256xf32> to vector<256x1xf32>
    %eq3A_18 = vector.broadcast %broadcast_in_dim3A_17 : vector<256x1xf32> to vector<256x64xf32>
    %eq3A_19 = arith.cmpf oeq, %select_n3A_14, %eq3A_18 : vector<256x64xf32>
    %jit3A_20 = arith.constant 64 : i32
    %broadcast_in_dim3A_21 = vector.broadcast %jit3A_20 : i32 to vector<256x64xi32>
    %select_n3A_22 = arith.select %eq3A_19, %iota3A, %broadcast_in_dim3A_21 : vector<256x64xi1>, vector<256x64xi32>
    %reduce_min3A_23 = arith.constant dense<2147483647> : vector<256xi32>
    %reduce_min3A_24 = vector.multi_reduction <minsi>, %select_n3A_22, %reduce_min3A_23 [1] : vector<256x64xi32> to vector<256xi32>
    %broadcast_in_dim3A_25 = vector.shape_cast %reduce_min3A_24 : vector<256xi32> to vector<256x1xi32>
    %eq3A_26 = vector.broadcast %broadcast_in_dim3A_25 : vector<256x1xi32> to vector<256x64xi32>
    %eq3A_27 = arith.cmpi eq, %iota3A, %eq3A_26 : vector<256x64xi32>
    %jit3A_28 = arith.constant 0x7F800000 : f32
    %broadcast_in_dim3A_29 = vector.broadcast %jit3A_28 : f32 to vector<256x64xf32>
    %select_n3A_30 = arith.select %eq3A_27, %broadcast_in_dim3A_29, %select_n3A_14 : vector<256x64xi1>, vector<256x64xf32>
    %reduce_min3A_31 = arith.constant dense<0x7F800000> : vector<256xf32>
    %reduce_min3A_32 = vector.multi_reduction <minimumf>, %select_n3A_30, %reduce_min3A_31 [1] : vector<256x64xf32> to vector<256xf32>
    %broadcast_in_dim3A_33 = vector.shape_cast %reduce_min3A_32 : vector<256xf32> to vector<256x1xf32>
    %eq3A_34 = vector.broadcast %broadcast_in_dim3A_33 : vector<256x1xf32> to vector<256x64xf32>
    %eq3A_35 = arith.cmpf oeq, %select_n3A_30, %eq3A_34 : vector<256x64xf32>
    %jit3A_36 = arith.constant 64 : i32
    %broadcast_in_dim3A_37 = vector.broadcast %jit3A_36 : i32 to vector<256x64xi32>
    %select_n3A_38 = arith.select %eq3A_35, %iota3A, %broadcast_in_dim3A_37 : vector<256x64xi1>, vector<256x64xi32>
    %reduce_min3A_39 = arith.constant dense<2147483647> : vector<256xi32>
    %reduce_min3A_40 = vector.multi_reduction <minsi>, %select_n3A_38, %reduce_min3A_39 [1] : vector<256x64xi32> to vector<256xi32>
    %broadcast_in_dim3A_41 = vector.shape_cast %reduce_min3A_40 : vector<256xi32> to vector<256x1xi32>
    %add3A = arith.constant 9.99999993E-9 : f32
    %add3A_42 = vector.broadcast %add3A : f32 to vector<256x1xf32>
    %add3A_43 = arith.addf %broadcast_in_dim3A, %add3A_42 : vector<256x1xf32>
    %div3A = arith.constant 1.000000e+00 : f32
    %div3A_44 = vector.broadcast %div3A : f32 to vector<256x1xf32>
    %div3A_45 = arith.divf %div3A_44, %add3A_43 : vector<256x1xf32>
    %add3A_46 = arith.constant 9.99999993E-9 : f32
    %add3A_47 = vector.broadcast %add3A_46 : f32 to vector<256x1xf32>
    %add3A_48 = arith.addf %broadcast_in_dim3A_17, %add3A_47 : vector<256x1xf32>
    %div3A_49 = arith.constant 1.000000e+00 : f32
    %div3A_50 = vector.broadcast %div3A_49 : f32 to vector<256x1xf32>
    %div3A_51 = arith.divf %div3A_50, %add3A_48 : vector<256x1xf32>
    %add3A_52 = arith.constant 9.99999993E-9 : f32
    %add3A_53 = vector.broadcast %add3A_52 : f32 to vector<256x1xf32>
    %add3A_54 = arith.addf %broadcast_in_dim3A_33, %add3A_53 : vector<256x1xf32>
    %div3A_55 = arith.constant 1.000000e+00 : f32
    %div3A_56 = vector.broadcast %div3A_55 : f32 to vector<256x1xf32>
    %div3A_57 = arith.divf %div3A_56, %add3A_54 : vector<256x1xf32>
    %add3A_58 = arith.addf %div3A_45, %div3A_51 : vector<256x1xf32>
    %add3A_59 = arith.addf %add3A_58, %div3A_57 : vector<256x1xf32>
    %broadcast_in_dim3A_60 = arith.constant 0.000000e+00 : f32
    %broadcast_in_dim3A_61 = vector.broadcast %broadcast_in_dim3A_60 : f32 to vector<256x64xf32>
    %eq3A_62 = vector.broadcast %broadcast_in_dim3A_9 : vector<256x1xi32> to vector<256x64xi32>
    %eq3A_63 = arith.cmpi eq, %iota3A, %eq3A_62 : vector<256x64xi32>
    %div3A_64 = arith.divf %div3A_45, %add3A_59 : vector<256x1xf32>
    %jit3A_65 = arith.constant 0.000000e+00 : f32
    %broadcast_in_dim3A_66 = vector.shape_cast %div3A_64 : vector<256x1xf32> to vector<256x1xf32>
    %broadcast_in_dim3A_67 = vector.broadcast %broadcast_in_dim3A_66 : vector<256x1xf32> to vector<256x64xf32>
    %broadcast_in_dim3A_68 = vector.broadcast %jit3A_65 : f32 to vector<256x64xf32>
    %select_n3A_69 = arith.select %eq3A_63, %broadcast_in_dim3A_67, %broadcast_in_dim3A_68 : vector<256x64xi1>, vector<256x64xf32>
    %add3A_70 = arith.addf %broadcast_in_dim3A_61, %select_n3A_69 : vector<256x64xf32>
    %eq3A_71 = vector.broadcast %broadcast_in_dim3A_25 : vector<256x1xi32> to vector<256x64xi32>
    %eq3A_72 = arith.cmpi eq, %iota3A, %eq3A_71 : vector<256x64xi32>
    %div3A_73 = arith.divf %div3A_51, %add3A_59 : vector<256x1xf32>
    %jit3A_74 = arith.constant 0.000000e+00 : f32
    %broadcast_in_dim3A_75 = vector.shape_cast %div3A_73 : vector<256x1xf32> to vector<256x1xf32>
    %broadcast_in_dim3A_76 = vector.broadcast %broadcast_in_dim3A_75 : vector<256x1xf32> to vector<256x64xf32>
    %broadcast_in_dim3A_77 = vector.broadcast %jit3A_74 : f32 to vector<256x64xf32>
    %select_n3A_78 = arith.select %eq3A_72, %broadcast_in_dim3A_76, %broadcast_in_dim3A_77 : vector<256x64xi1>, vector<256x64xf32>
    %add3A_79 = arith.addf %add3A_70, %select_n3A_78 : vector<256x64xf32>
    %eq3A_80 = vector.broadcast %broadcast_in_dim3A_41 : vector<256x1xi32> to vector<256x64xi32>
    %eq3A_81 = arith.cmpi eq, %iota3A, %eq3A_80 : vector<256x64xi32>
    %div3A_82 = arith.divf %div3A_57, %add3A_59 : vector<256x1xf32>
    %jit3A_83 = arith.constant 0.000000e+00 : f32
    %broadcast_in_dim3A_84 = vector.shape_cast %div3A_82 : vector<256x1xf32> to vector<256x1xf32>
    %broadcast_in_dim3A_85 = vector.broadcast %broadcast_in_dim3A_84 : vector<256x1xf32> to vector<256x64xf32>
    %broadcast_in_dim3A_86 = vector.broadcast %jit3A_83 : f32 to vector<256x64xf32>
    %select_n3A_87 = arith.select %eq3A_81, %broadcast_in_dim3A_85, %broadcast_in_dim3A_86 : vector<256x64xi1>, vector<256x64xf32>
    %add3A_88 = arith.addf %add3A_79, %select_n3A_87 : vector<256x64xf32>
    %get3A_89 = arith.constant 0 : index
    %get3A_90 = arith.constant 0 : index
    %get3A_91 = arith.constant 0 : index
    %get3A_92 = vector.load %arg3[%get3A_89, %get3A_90, %get3A_91] : memref<1x64x256xf32, #tpu.memory_space<vmem>>, vector<1x64x256xf32>
    %get3A_93 = vector.shape_cast %get3A_92 : vector<1x64x256xf32> to vector<64x256xf32>
    %dot_general3A = arith.constant dense<0.000000e+00> : vector<256x256xf32>
    %dot_general3A_94 = tpu.matmul %add3A_88, %get3A_93, %dot_general3A {dimension_numbers = #tpu.dot_dimension_numbers<[1], [0], [0], [1], [0, 0, 1, 1], [], []>, precision = #tpu.contract_precision<fp32>, transpose_lhs_hint = false} : vector<256x64xf32>, vector<64x256xf32>, vector<256x256xf32> -> vector<256x256xf32>
    %get3A_95 = arith.constant 0 : index
    %get3A_96 = arith.constant 0 : index
    %get3A_97 = vector.load %arg5[%get3A_95, %get3A_96] : memref<384x256xf32, #tpu.memory_space<vmem>>, vector<384x256xf32>
    %get3A_98 = arith.constant 0 : index
    %get3A_99 = vector.load %arg6[%get3A_98] : memref<256xf32, #tpu.memory_space<vmem>>, vector<256xf32>
    %slice3A = vector.extract_strided_slice %get3A_97 {offsets = [128, 0], sizes = [256, 256], strides = [1, 1]} : vector<384x256xf32> to vector<256x256xf32>
    %dot_general3A_100 = arith.constant dense<0.000000e+00> : vector<256x256xf32>
    %dot_general3A_101 = tpu.matmul %dot_general3A_94, %slice3A, %dot_general3A_100 {dimension_numbers = #tpu.dot_dimension_numbers<[1], [0], [0], [1], [0, 0, 1, 1], [], []>, precision = #tpu.contract_precision<fp32>, transpose_lhs_hint = false} : vector<256x256xf32>, vector<256x256xf32>, vector<256x256xf32> -> vector<256x256xf32>
    %get3A_102 = arith.constant 0 : index
    %get3A_103 = arith.constant 0 : index
    %get3A_104 = arith.constant 0 : index
    %get3A_105 = vector.load %arg4[%get3A_102, %get3A_103, %get3A_104] : memref<1x256x128xf32, #tpu.memory_space<vmem>>, vector<1x256x128xf32>
    %get3A_106 = vector.shape_cast %get3A_105 : vector<1x256x128xf32> to vector<256x128xf32>
    %slice3A_107 = vector.extract_strided_slice %get3A_97 {offsets = [0, 0], sizes = [128, 256], strides = [1, 1]} : vector<384x256xf32> to vector<128x256xf32>
    %dot_general3A_108 = arith.constant dense<0.000000e+00> : vector<256x256xf32>
    %dot_general3A_109 = tpu.matmul %get3A_106, %slice3A_107, %dot_general3A_108 {dimension_numbers = #tpu.dot_dimension_numbers<[1], [0], [0], [1], [0, 0, 1, 1], [], []>, precision = #tpu.contract_precision<fp32>, transpose_lhs_hint = false} : vector<256x128xf32>, vector<128x256xf32>, vector<256x256xf32> -> vector<256x256xf32>
    %add3A_110 = arith.addf %dot_general3A_109, %dot_general3A_101 : vector<256x256xf32>
    %broadcast_in_dim3A_111 = vector.shape_cast %get3A_99 : vector<256xf32> to vector<1x256xf32>
    %add3A_112 = vector.broadcast %broadcast_in_dim3A_111 : vector<1x256xf32> to vector<256x256xf32>
    %add3A_113 = arith.addf %add3A_110, %add3A_112 : vector<256x256xf32>
    %max3A = arith.constant 0.000000e+00 : f32
    %max3A_114 = vector.broadcast %max3A : f32 to vector<256x256xf32>
    %max3A_115 = arith.maximumf %add3A_113, %max3A_114 : vector<256x256xf32>
    %get3A_116 = arith.constant 0 : index
    %get3A_117 = arith.constant 0 : index
    %get3A_118 = vector.load %arg7[%get3A_116, %get3A_117] : memref<256x256xf32, #tpu.memory_space<vmem>>, vector<256x256xf32>
    %get3A_119 = arith.constant 0 : index
    %get3A_120 = vector.load %arg8[%get3A_119] : memref<256xf32, #tpu.memory_space<vmem>>, vector<256xf32>
    %dot_general3A_121 = arith.constant dense<0.000000e+00> : vector<256x256xf32>
    %dot_general3A_122 = tpu.matmul %max3A_115, %get3A_118, %dot_general3A_121 {dimension_numbers = #tpu.dot_dimension_numbers<[1], [0], [0], [1], [0, 0, 1, 1], [], []>, precision = #tpu.contract_precision<fp32>, transpose_lhs_hint = false} : vector<256x256xf32>, vector<256x256xf32>, vector<256x256xf32> -> vector<256x256xf32>
    %broadcast_in_dim3A_123 = vector.shape_cast %get3A_120 : vector<256xf32> to vector<1x256xf32>
    %add3A_124 = vector.broadcast %broadcast_in_dim3A_123 : vector<1x256xf32> to vector<256x256xf32>
    %add3A_125 = arith.addf %dot_general3A_122, %add3A_124 : vector<256x256xf32>
    %max3A_126 = arith.constant 0.000000e+00 : f32
    %max3A_127 = vector.broadcast %max3A_126 : f32 to vector<256x256xf32>
    %max3A_128 = arith.maximumf %add3A_125, %max3A_127 : vector<256x256xf32>
    %swap3A = arith.constant 0 : index
    %swap3A_129 = arith.constant 0 : index
    %swap3A_130 = arith.constant 0 : index
    %swap3A_131 = vector.load %arg9[%swap3A, %swap3A_129, %swap3A_130] : memref<1x256x256xf32, #tpu.memory_space<vmem>>, vector<1x256x256xf32>
    %swap3A_132 = vector.shape_cast %swap3A_131 : vector<1x256x256xf32> to vector<256x256xf32>
    %swap3A_133 = vector.shape_cast %max3A_128 : vector<256x256xf32> to vector<1x256x256xf32>
    tpu.vector_store %arg9[%swap3A, %swap3A_129, %swap3A_130], %swap3A_133 {strides = array<i32>} : memref<1x256x256xf32, #tpu.memory_space<vmem>>, vector<1x256x256xf32>,
    return
  }
  func.func @transform_0(%arg0: i32, %arg1: i32) -> (i32, i32, i32) {
    %c0_i32 = arith.constant 0 : i32
    %c0_i32_0 = arith.constant 0 : i32
    return %arg0, %arg1, %c0_i32 : i32, i32, i32
  }
  func.func @transform_1(%arg0: i32, %arg1: i32) -> (i32, i32, i32) {
    %c0_i32 = arith.constant 0 : i32
    %c0_i32_0 = arith.constant 0 : i32
    %c0_i32_1 = arith.constant 0 : i32
    return %arg0, %c0_i32, %c0_i32_0 : i32, i32, i32
  }
  func.func @transform_2(%arg0: i32, %arg1: i32) -> (i32, i32, i32) {
    %c0_i32 = arith.constant 0 : i32
    %c0_i32_0 = arith.constant 0 : i32
    return %arg0, %arg1, %c0_i32 : i32, i32, i32
  }
  func.func @transform_3(%arg0: i32, %arg1: i32) -> (i32, i32) {
    %c0_i32 = arith.constant 0 : i32
    %c0_i32_0 = arith.constant 0 : i32
    %c0_i32_1 = arith.constant 0 : i32
    return %c0_i32, %c0_i32_0 : i32, i32
  }
  func.func @transform_4(%arg0: i32, %arg1: i32) -> i32 {
    %c0_i32 = arith.constant 0 : i32
    %c0_i32_0 = arith.constant 0 : i32
    return %c0_i32 : i32
  }
  func.func @transform_5(%arg0: i32, %arg1: i32) -> (i32, i32) {
    %c0_i32 = arith.constant 0 : i32
    %c0_i32_0 = arith.constant 0 : i32
    %c0_i32_1 = arith.constant 0 : i32
    return %c0_i32, %c0_i32_0 : i32, i32
  }
  func.func @transform_6(%arg0: i32, %arg1: i32) -> i32 {
    %c0_i32 = arith.constant 0 : i32
    %c0_i32_0 = arith.constant 0 : i32
    return %c0_i32 : i32
  }
  func.func @transform_7(%arg0: i32, %arg1: i32) -> (i32, i32, i32) {
    %c0_i32 = arith.constant 0 : i32
    %c0_i32_0 = arith.constant 0 : i32
    return %arg0, %arg1, %c0_i32 : i32, i32, i32
  }
}

module attributes {stable_mosaic.version = 14 : i64} {
  func.func @kern(%arg0: i32, %arg1: i32, %arg2: memref<1x512x256xf32, #tpu.memory_space<vmem>>, %arg3: memref<1x256x256xf32, #tpu.memory_space<vmem>>, %arg4: memref<1x512x64xf32, #tpu.memory_space<vmem>>, %arg5: memref<320x256xf32, #tpu.memory_space<vmem>>, %arg6: memref<256xf32, #tpu.memory_space<vmem>>, %arg7: memref<256x128xf32, #tpu.memory_space<vmem>>, %arg8: memref<128xf32, #tpu.memory_space<vmem>>, %arg9: memref<1x512x128xf32, #tpu.memory_space<vmem>>) attributes {dimension_semantics = [#tpu.dimension_semantics<arbitrary>, #tpu.dimension_semantics<arbitrary>], iteration_bounds = array<i64: 2, 2>, scalar_prefetch = 0 : i64, scratch_operands = 0 : i64, tpu.core_type = #tpu.core_type<tc>, window_params = [{transform_indices = @transform_0, window_bounds = array<i64: 1, 512, 256>}, {transform_indices = @transform_1, window_bounds = array<i64: 1, 256, 256>}, {transform_indices = @transform_2, window_bounds = array<i64: 1, 512, 64>}, {pipeline_mode = #tpu.pipeline_mode<synchronous>, transform_indices = @transform_3, window_bounds = array<i64: 320, 256>}, {pipeline_mode = #tpu.pipeline_mode<synchronous>, transform_indices = @transform_4, window_bounds = array<i64: 256>}, {pipeline_mode = #tpu.pipeline_mode<synchronous>, transform_indices = @transform_5, window_bounds = array<i64: 256, 128>}, {pipeline_mode = #tpu.pipeline_mode<synchronous>, transform_indices = @transform_6, window_bounds = array<i64: 128>}, {transform_indices = @transform_7, window_bounds = array<i64: 1, 512, 128>}]} {
    %get3A = arith.constant 0 : index
    %get3A_0 = arith.constant 0 : index
    %get3A_1 = arith.constant 0 : index
    %get3A_2 = vector.load %arg2[%get3A, %get3A_0, %get3A_1] : memref<1x512x256xf32, #tpu.memory_space<vmem>>, vector<1x512x256xf32>
    %get3A_3 = vector.shape_cast %get3A_2 : vector<1x512x256xf32> to vector<512x256xf32>
    %iota3A = tpu.iota {dimensions = array<i32: 1>} : vector<512x256xi32>
    %reduce_min3A = arith.constant dense<0x7F800000> : vector<512xf32>
    %reduce_min3A_4 = vector.multi_reduction <minimumf>, %get3A_3, %reduce_min3A [1] : vector<512x256xf32> to vector<512xf32>
    %broadcast_in_dim3A = vector.shape_cast %reduce_min3A_4 : vector<512xf32> to vector<512x1xf32>
    %eq3A = vector.broadcast %broadcast_in_dim3A : vector<512x1xf32> to vector<512x256xf32>
    %eq3A_5 = arith.cmpf oeq, %get3A_3, %eq3A : vector<512x256xf32>
    %jit3A = arith.constant 256 : i32
    %broadcast_in_dim3A_6 = vector.broadcast %jit3A : i32 to vector<512x256xi32>
    %select_n3A = arith.select %eq3A_5, %iota3A, %broadcast_in_dim3A_6 : vector<512x256xi1>, vector<512x256xi32>
    %reduce_min3A_7 = arith.constant dense<2147483647> : vector<512xi32>
    %reduce_min3A_8 = vector.multi_reduction <minsi>, %select_n3A, %reduce_min3A_7 [1] : vector<512x256xi32> to vector<512xi32>
    %broadcast_in_dim3A_9 = vector.shape_cast %reduce_min3A_8 : vector<512xi32> to vector<512x1xi32>
    %eq3A_10 = vector.broadcast %broadcast_in_dim3A_9 : vector<512x1xi32> to vector<512x256xi32>
    %eq3A_11 = arith.cmpi eq, %iota3A, %eq3A_10 : vector<512x256xi32>
    %jit3A_12 = arith.constant 0x7F800000 : f32
    %broadcast_in_dim3A_13 = vector.broadcast %jit3A_12 : f32 to vector<512x256xf32>
    %select_n3A_14 = arith.select %eq3A_11, %broadcast_in_dim3A_13, %get3A_3 : vector<512x256xi1>, vector<512x256xf32>
    %reduce_min3A_15 = arith.constant dense<0x7F800000> : vector<512xf32>
    %reduce_min3A_16 = vector.multi_reduction <minimumf>, %select_n3A_14, %reduce_min3A_15 [1] : vector<512x256xf32> to vector<512xf32>
    %broadcast_in_dim3A_17 = vector.shape_cast %reduce_min3A_16 : vector<512xf32> to vector<512x1xf32>
    %eq3A_18 = vector.broadcast %broadcast_in_dim3A_17 : vector<512x1xf32> to vector<512x256xf32>
    %eq3A_19 = arith.cmpf oeq, %select_n3A_14, %eq3A_18 : vector<512x256xf32>
    %jit3A_20 = arith.constant 256 : i32
    %broadcast_in_dim3A_21 = vector.broadcast %jit3A_20 : i32 to vector<512x256xi32>
    %select_n3A_22 = arith.select %eq3A_19, %iota3A, %broadcast_in_dim3A_21 : vector<512x256xi1>, vector<512x256xi32>
    %reduce_min3A_23 = arith.constant dense<2147483647> : vector<512xi32>
    %reduce_min3A_24 = vector.multi_reduction <minsi>, %select_n3A_22, %reduce_min3A_23 [1] : vector<512x256xi32> to vector<512xi32>
    %broadcast_in_dim3A_25 = vector.shape_cast %reduce_min3A_24 : vector<512xi32> to vector<512x1xi32>
    %eq3A_26 = vector.broadcast %broadcast_in_dim3A_25 : vector<512x1xi32> to vector<512x256xi32>
    %eq3A_27 = arith.cmpi eq, %iota3A, %eq3A_26 : vector<512x256xi32>
    %jit3A_28 = arith.constant 0x7F800000 : f32
    %broadcast_in_dim3A_29 = vector.broadcast %jit3A_28 : f32 to vector<512x256xf32>
    %select_n3A_30 = arith.select %eq3A_27, %broadcast_in_dim3A_29, %select_n3A_14 : vector<512x256xi1>, vector<512x256xf32>
    %reduce_min3A_31 = arith.constant dense<0x7F800000> : vector<512xf32>
    %reduce_min3A_32 = vector.multi_reduction <minimumf>, %select_n3A_30, %reduce_min3A_31 [1] : vector<512x256xf32> to vector<512xf32>
    %broadcast_in_dim3A_33 = vector.shape_cast %reduce_min3A_32 : vector<512xf32> to vector<512x1xf32>
    %eq3A_34 = vector.broadcast %broadcast_in_dim3A_33 : vector<512x1xf32> to vector<512x256xf32>
    %eq3A_35 = arith.cmpf oeq, %select_n3A_30, %eq3A_34 : vector<512x256xf32>
    %jit3A_36 = arith.constant 256 : i32
    %broadcast_in_dim3A_37 = vector.broadcast %jit3A_36 : i32 to vector<512x256xi32>
    %select_n3A_38 = arith.select %eq3A_35, %iota3A, %broadcast_in_dim3A_37 : vector<512x256xi1>, vector<512x256xi32>
    %reduce_min3A_39 = arith.constant dense<2147483647> : vector<512xi32>
    %reduce_min3A_40 = vector.multi_reduction <minsi>, %select_n3A_38, %reduce_min3A_39 [1] : vector<512x256xi32> to vector<512xi32>
    %broadcast_in_dim3A_41 = vector.shape_cast %reduce_min3A_40 : vector<512xi32> to vector<512x1xi32>
    %add3A = arith.constant 9.99999993E-9 : f32
    %add3A_42 = vector.broadcast %add3A : f32 to vector<512x1xf32>
    %add3A_43 = arith.addf %broadcast_in_dim3A, %add3A_42 : vector<512x1xf32>
    %div3A = arith.constant 1.000000e+00 : f32
    %div3A_44 = vector.broadcast %div3A : f32 to vector<512x1xf32>
    %div3A_45 = arith.divf %div3A_44, %add3A_43 : vector<512x1xf32>
    %add3A_46 = arith.constant 9.99999993E-9 : f32
    %add3A_47 = vector.broadcast %add3A_46 : f32 to vector<512x1xf32>
    %add3A_48 = arith.addf %broadcast_in_dim3A_17, %add3A_47 : vector<512x1xf32>
    %div3A_49 = arith.constant 1.000000e+00 : f32
    %div3A_50 = vector.broadcast %div3A_49 : f32 to vector<512x1xf32>
    %div3A_51 = arith.divf %div3A_50, %add3A_48 : vector<512x1xf32>
    %add3A_52 = arith.constant 9.99999993E-9 : f32
    %add3A_53 = vector.broadcast %add3A_52 : f32 to vector<512x1xf32>
    %add3A_54 = arith.addf %broadcast_in_dim3A_33, %add3A_53 : vector<512x1xf32>
    %div3A_55 = arith.constant 1.000000e+00 : f32
    %div3A_56 = vector.broadcast %div3A_55 : f32 to vector<512x1xf32>
    %div3A_57 = arith.divf %div3A_56, %add3A_54 : vector<512x1xf32>
    %add3A_58 = arith.addf %div3A_45, %div3A_51 : vector<512x1xf32>
    %add3A_59 = arith.addf %add3A_58, %div3A_57 : vector<512x1xf32>
    %broadcast_in_dim3A_60 = arith.constant 0.000000e+00 : f32
    %broadcast_in_dim3A_61 = vector.broadcast %broadcast_in_dim3A_60 : f32 to vector<512x256xf32>
    %eq3A_62 = vector.broadcast %broadcast_in_dim3A_9 : vector<512x1xi32> to vector<512x256xi32>
    %eq3A_63 = arith.cmpi eq, %iota3A, %eq3A_62 : vector<512x256xi32>
    %div3A_64 = arith.divf %div3A_45, %add3A_59 : vector<512x1xf32>
    %jit3A_65 = arith.constant 0.000000e+00 : f32
    %broadcast_in_dim3A_66 = vector.shape_cast %div3A_64 : vector<512x1xf32> to vector<512x1xf32>
    %broadcast_in_dim3A_67 = vector.broadcast %broadcast_in_dim3A_66 : vector<512x1xf32> to vector<512x256xf32>
    %broadcast_in_dim3A_68 = vector.broadcast %jit3A_65 : f32 to vector<512x256xf32>
    %select_n3A_69 = arith.select %eq3A_63, %broadcast_in_dim3A_67, %broadcast_in_dim3A_68 : vector<512x256xi1>, vector<512x256xf32>
    %add3A_70 = arith.addf %broadcast_in_dim3A_61, %select_n3A_69 : vector<512x256xf32>
    %eq3A_71 = vector.broadcast %broadcast_in_dim3A_25 : vector<512x1xi32> to vector<512x256xi32>
    %eq3A_72 = arith.cmpi eq, %iota3A, %eq3A_71 : vector<512x256xi32>
    %div3A_73 = arith.divf %div3A_51, %add3A_59 : vector<512x1xf32>
    %jit3A_74 = arith.constant 0.000000e+00 : f32
    %broadcast_in_dim3A_75 = vector.shape_cast %div3A_73 : vector<512x1xf32> to vector<512x1xf32>
    %broadcast_in_dim3A_76 = vector.broadcast %broadcast_in_dim3A_75 : vector<512x1xf32> to vector<512x256xf32>
    %broadcast_in_dim3A_77 = vector.broadcast %jit3A_74 : f32 to vector<512x256xf32>
    %select_n3A_78 = arith.select %eq3A_72, %broadcast_in_dim3A_76, %broadcast_in_dim3A_77 : vector<512x256xi1>, vector<512x256xf32>
    %add3A_79 = arith.addf %add3A_70, %select_n3A_78 : vector<512x256xf32>
    %eq3A_80 = vector.broadcast %broadcast_in_dim3A_41 : vector<512x1xi32> to vector<512x256xi32>
    %eq3A_81 = arith.cmpi eq, %iota3A, %eq3A_80 : vector<512x256xi32>
    %div3A_82 = arith.divf %div3A_57, %add3A_59 : vector<512x1xf32>
    %jit3A_83 = arith.constant 0.000000e+00 : f32
    %broadcast_in_dim3A_84 = vector.shape_cast %div3A_82 : vector<512x1xf32> to vector<512x1xf32>
    %broadcast_in_dim3A_85 = vector.broadcast %broadcast_in_dim3A_84 : vector<512x1xf32> to vector<512x256xf32>
    %broadcast_in_dim3A_86 = vector.broadcast %jit3A_83 : f32 to vector<512x256xf32>
    %select_n3A_87 = arith.select %eq3A_81, %broadcast_in_dim3A_85, %broadcast_in_dim3A_86 : vector<512x256xi1>, vector<512x256xf32>
    %add3A_88 = arith.addf %add3A_79, %select_n3A_87 : vector<512x256xf32>
    %get3A_89 = arith.constant 0 : index
    %get3A_90 = arith.constant 0 : index
    %get3A_91 = arith.constant 0 : index
    %get3A_92 = vector.load %arg3[%get3A_89, %get3A_90, %get3A_91] : memref<1x256x256xf32, #tpu.memory_space<vmem>>, vector<1x256x256xf32>
    %get3A_93 = vector.shape_cast %get3A_92 : vector<1x256x256xf32> to vector<256x256xf32>
    %dot_general3A = arith.constant dense<0.000000e+00> : vector<512x256xf32>
    %dot_general3A_94 = tpu.matmul %add3A_88, %get3A_93, %dot_general3A {dimension_numbers = #tpu.dot_dimension_numbers<[1], [0], [0], [1], [0, 0, 1, 1], [], []>, precision = #tpu.contract_precision<fp32>, transpose_lhs_hint = false} : vector<512x256xf32>, vector<256x256xf32>, vector<512x256xf32> -> vector<512x256xf32>
    %get3A_95 = arith.constant 0 : index
    %get3A_96 = arith.constant 0 : index
    %get3A_97 = vector.load %arg5[%get3A_95, %get3A_96] : memref<320x256xf32, #tpu.memory_space<vmem>>, vector<320x256xf32>
    %get3A_98 = arith.constant 0 : index
    %get3A_99 = vector.load %arg6[%get3A_98] : memref<256xf32, #tpu.memory_space<vmem>>, vector<256xf32>
    %slice3A = vector.extract_strided_slice %get3A_97 {offsets = [64, 0], sizes = [256, 256], strides = [1, 1]} : vector<320x256xf32> to vector<256x256xf32>
    %dot_general3A_100 = arith.constant dense<0.000000e+00> : vector<512x256xf32>
    %dot_general3A_101 = tpu.matmul %dot_general3A_94, %slice3A, %dot_general3A_100 {dimension_numbers = #tpu.dot_dimension_numbers<[1], [0], [0], [1], [0, 0, 1, 1], [], []>, precision = #tpu.contract_precision<fp32>, transpose_lhs_hint = false} : vector<512x256xf32>, vector<256x256xf32>, vector<512x256xf32> -> vector<512x256xf32>
    %get3A_102 = arith.constant 0 : index
    %get3A_103 = arith.constant 0 : index
    %get3A_104 = arith.constant 0 : index
    %get3A_105 = vector.load %arg4[%get3A_102, %get3A_103, %get3A_104] : memref<1x512x64xf32, #tpu.memory_space<vmem>>, vector<1x512x64xf32>
    %get3A_106 = vector.shape_cast %get3A_105 : vector<1x512x64xf32> to vector<512x64xf32>
    %slice3A_107 = vector.extract_strided_slice %get3A_97 {offsets = [0, 0], sizes = [64, 256], strides = [1, 1]} : vector<320x256xf32> to vector<64x256xf32>
    %dot_general3A_108 = arith.constant dense<0.000000e+00> : vector<512x256xf32>
    %dot_general3A_109 = tpu.matmul %get3A_106, %slice3A_107, %dot_general3A_108 {dimension_numbers = #tpu.dot_dimension_numbers<[1], [0], [0], [1], [0, 0, 1, 1], [], []>, precision = #tpu.contract_precision<fp32>, transpose_lhs_hint = false} : vector<512x64xf32>, vector<64x256xf32>, vector<512x256xf32> -> vector<512x256xf32>
    %add3A_110 = arith.addf %dot_general3A_109, %dot_general3A_101 : vector<512x256xf32>
    %broadcast_in_dim3A_111 = vector.shape_cast %get3A_99 : vector<256xf32> to vector<1x256xf32>
    %add3A_112 = vector.broadcast %broadcast_in_dim3A_111 : vector<1x256xf32> to vector<512x256xf32>
    %add3A_113 = arith.addf %add3A_110, %add3A_112 : vector<512x256xf32>
    %max3A = arith.constant 0.000000e+00 : f32
    %max3A_114 = vector.broadcast %max3A : f32 to vector<512x256xf32>
    %max3A_115 = arith.maximumf %add3A_113, %max3A_114 : vector<512x256xf32>
    %get3A_116 = arith.constant 0 : index
    %get3A_117 = arith.constant 0 : index
    %get3A_118 = vector.load %arg7[%get3A_116, %get3A_117] : memref<256x128xf32, #tpu.memory_space<vmem>>, vector<256x128xf32>
    %get3A_119 = arith.constant 0 : index
    %get3A_120 = vector.load %arg8[%get3A_119] : memref<128xf32, #tpu.memory_space<vmem>>, vector<128xf32>
    %dot_general3A_121 = arith.constant dense<0.000000e+00> : vector<512x128xf32>
    %dot_general3A_122 = tpu.matmul %max3A_115, %get3A_118, %dot_general3A_121 {dimension_numbers = #tpu.dot_dimension_numbers<[1], [0], [0], [1], [0, 0, 1, 1], [], []>, precision = #tpu.contract_precision<fp32>, transpose_lhs_hint = false} : vector<512x256xf32>, vector<256x128xf32>, vector<512x128xf32> -> vector<512x128xf32>
    %broadcast_in_dim3A_123 = vector.shape_cast %get3A_120 : vector<128xf32> to vector<1x128xf32>
    %add3A_124 = vector.broadcast %broadcast_in_dim3A_123 : vector<1x128xf32> to vector<512x128xf32>
    %add3A_125 = arith.addf %dot_general3A_122, %add3A_124 : vector<512x128xf32>
    %max3A_126 = arith.constant 0.000000e+00 : f32
    %max3A_127 = vector.broadcast %max3A_126 : f32 to vector<512x128xf32>
    %max3A_128 = arith.maximumf %add3A_125, %max3A_127 : vector<512x128xf32>
    %swap3A = arith.constant 0 : index
    %swap3A_129 = arith.constant 0 : index
    %swap3A_130 = arith.constant 0 : index
    %swap3A_131 = vector.load %arg9[%swap3A, %swap3A_129, %swap3A_130] : memref<1x512x128xf32, #tpu.memory_space<vmem>>, vector<1x512x128xf32>
    %swap3A_132 = vector.shape_cast %swap3A_131 : vector<1x512x128xf32> to vector<512x128xf32>
    %swap3A_133 = vector.shape_cast %max3A_128 : vector<512x128xf32> to vector<1x512x128xf32>
    tpu.vector_store %arg9[%swap3A, %swap3A_129, %swap3A_130], %swap3A_133 {strides = array<i32>} : memref<1x512x128xf32, #tpu.memory_space<vmem>>, vector<1x512x128xf32>,
    return
  }
  func.func @transform_0(%arg0: i32, %arg1: i32) -> (i32, i32, i32) {
    %c0_i32 = arith.constant 0 : i32
    %c0_i32_0 = arith.constant 0 : i32
    return %arg0, %arg1, %c0_i32 : i32, i32, i32
  }
  func.func @transform_1(%arg0: i32, %arg1: i32) -> (i32, i32, i32) {
    %c0_i32 = arith.constant 0 : i32
    %c0_i32_0 = arith.constant 0 : i32
    %c0_i32_1 = arith.constant 0 : i32
    return %arg0, %c0_i32, %c0_i32_0 : i32, i32, i32
  }
  func.func @transform_2(%arg0: i32, %arg1: i32) -> (i32, i32, i32) {
    %c0_i32 = arith.constant 0 : i32
    %c0_i32_0 = arith.constant 0 : i32
    return %arg0, %arg1, %c0_i32 : i32, i32, i32
  }
  func.func @transform_3(%arg0: i32, %arg1: i32) -> (i32, i32) {
    %c0_i32 = arith.constant 0 : i32
    %c0_i32_0 = arith.constant 0 : i32
    %c0_i32_1 = arith.constant 0 : i32
    return %c0_i32, %c0_i32_0 : i32, i32
  }
  func.func @transform_4(%arg0: i32, %arg1: i32) -> i32 {
    %c0_i32 = arith.constant 0 : i32
    %c0_i32_0 = arith.constant 0 : i32
    return %c0_i32 : i32
  }
  func.func @transform_5(%arg0: i32, %arg1: i32) -> (i32, i32) {
    %c0_i32 = arith.constant 0 : i32
    %c0_i32_0 = arith.constant 0 : i32
    %c0_i32_1 = arith.constant 0 : i32
    return %c0_i32, %c0_i32_0 : i32, i32
  }
  func.func @transform_6(%arg0: i32, %arg1: i32) -> i32 {
    %c0_i32 = arith.constant 0 : i32
    %c0_i32_0 = arith.constant 0 : i32
    return %c0_i32 : i32
  }
  func.func @transform_7(%arg0: i32, %arg1: i32) -> (i32, i32, i32) {
    %c0_i32 = arith.constant 0 : i32
    %c0_i32_0 = arith.constant 0 : i32
    return %arg0, %arg1, %c0_i32 : i32, i32, i32
  }
}

module attributes {stable_mosaic.version = 14 : i64} {
  func.func @kern(%arg0: i32, %arg1: i32, %arg2: memref<1x512x1024xf32, #tpu.memory_space<vmem>>, %arg3: memref<1x1024x128xf32, #tpu.memory_space<vmem>>, %arg4: memref<128x128xf32, #tpu.memory_space<vmem>>, %arg5: memref<128xf32, #tpu.memory_space<vmem>>, %arg6: memref<128x128xf32, #tpu.memory_space<vmem>>, %arg7: memref<128xf32, #tpu.memory_space<vmem>>, %arg8: memref<128x128xf32, #tpu.memory_space<vmem>>, %arg9: memref<128xf32, #tpu.memory_space<vmem>>, %arg10: memref<128x128xf32, #tpu.memory_space<vmem>>, %arg11: memref<128xf32, #tpu.memory_space<vmem>>, %arg12: memref<128x2xf32, #tpu.memory_space<vmem>>, %arg13: memref<2xf32, #tpu.memory_space<vmem>>, %arg14: memref<128x128xf32, #tpu.memory_space<vmem>>, %arg15: memref<128xf32, #tpu.memory_space<vmem>>, %arg16: memref<128x3xf32, #tpu.memory_space<vmem>>, %arg17: memref<3xf32, #tpu.memory_space<vmem>>, %arg18: memref<1x512x128xf32, #tpu.memory_space<vmem>>, %arg19: memref<1x512x2xf32, #tpu.memory_space<vmem>>, %arg20: memref<1x512x3xf32, #tpu.memory_space<vmem>>) attributes {dimension_semantics = [#tpu.dimension_semantics<arbitrary>, #tpu.dimension_semantics<arbitrary>], iteration_bounds = array<i64: 2, 32>, scalar_prefetch = 0 : i64, scratch_operands = 0 : i64, tpu.core_type = #tpu.core_type<tc>, window_params = [{transform_indices = @transform_0, window_bounds = array<i64: 1, 512, 1024>}, {transform_indices = @transform_1, window_bounds = array<i64: 1, 1024, 128>}, {pipeline_mode = #tpu.pipeline_mode<synchronous>, transform_indices = @transform_2, window_bounds = array<i64: 128, 128>}, {pipeline_mode = #tpu.pipeline_mode<synchronous>, transform_indices = @transform_3, window_bounds = array<i64: 128>}, {pipeline_mode = #tpu.pipeline_mode<synchronous>, transform_indices = @transform_4, window_bounds = array<i64: 128, 128>}, {pipeline_mode = #tpu.pipeline_mode<synchronous>, transform_indices = @transform_5, window_bounds = array<i64: 128>}, {pipeline_mode = #tpu.pipeline_mode<synchronous>, transform_indices = @transform_6, window_bounds = array<i64: 128, 128>}, {pipeline_mode = #tpu.pipeline_mode<synchronous>, transform_indices = @transform_7, window_bounds = array<i64: 128>}, {pipeline_mode = #tpu.pipeline_mode<synchronous>, transform_indices = @transform_8, window_bounds = array<i64: 128, 128>}, {pipeline_mode = #tpu.pipeline_mode<synchronous>, transform_indices = @transform_9, window_bounds = array<i64: 128>}, {pipeline_mode = #tpu.pipeline_mode<synchronous>, transform_indices = @transform_10, window_bounds = array<i64: 128, 2>}, {pipeline_mode = #tpu.pipeline_mode<synchronous>, transform_indices = @transform_11, window_bounds = array<i64: 2>}, {pipeline_mode = #tpu.pipeline_mode<synchronous>, transform_indices = @transform_12, window_bounds = array<i64: 128, 128>}, {pipeline_mode = #tpu.pipeline_mode<synchronous>, transform_indices = @transform_13, window_bounds = array<i64: 128>}, {pipeline_mode = #tpu.pipeline_mode<synchronous>, transform_indices = @transform_14, window_bounds = array<i64: 128, 3>}, {pipeline_mode = #tpu.pipeline_mode<synchronous>, transform_indices = @transform_15, window_bounds = array<i64: 3>}, {transform_indices = @transform_16, window_bounds = array<i64: 1, 512, 128>}, {transform_indices = @transform_17, window_bounds = array<i64: 1, 512, 2>}, {transform_indices = @transform_18, window_bounds = array<i64: 1, 512, 3>}]} {
    %get3A = arith.constant 0 : index
    %get3A_0 = arith.constant 0 : index
    %get3A_1 = arith.constant 0 : index
    %get3A_2 = vector.load %arg2[%get3A, %get3A_0, %get3A_1] : memref<1x512x1024xf32, #tpu.memory_space<vmem>>, vector<1x512x1024xf32>
    %get3A_3 = vector.shape_cast %get3A_2 : vector<1x512x1024xf32> to vector<512x1024xf32>
    %iota3A = tpu.iota {dimensions = array<i32: 1>} : vector<512x1024xi32>
    %reduce_min3A = arith.constant dense<0x7F800000> : vector<512xf32>
    %reduce_min3A_4 = vector.multi_reduction <minimumf>, %get3A_3, %reduce_min3A [1] : vector<512x1024xf32> to vector<512xf32>
    %broadcast_in_dim3A = vector.shape_cast %reduce_min3A_4 : vector<512xf32> to vector<512x1xf32>
    %eq3A = vector.broadcast %broadcast_in_dim3A : vector<512x1xf32> to vector<512x1024xf32>
    %eq3A_5 = arith.cmpf oeq, %get3A_3, %eq3A : vector<512x1024xf32>
    %jit3A = arith.constant 1024 : i32
    %broadcast_in_dim3A_6 = vector.broadcast %jit3A : i32 to vector<512x1024xi32>
    %select_n3A = arith.select %eq3A_5, %iota3A, %broadcast_in_dim3A_6 : vector<512x1024xi1>, vector<512x1024xi32>
    %reduce_min3A_7 = arith.constant dense<2147483647> : vector<512xi32>
    %reduce_min3A_8 = vector.multi_reduction <minsi>, %select_n3A, %reduce_min3A_7 [1] : vector<512x1024xi32> to vector<512xi32>
    %broadcast_in_dim3A_9 = vector.shape_cast %reduce_min3A_8 : vector<512xi32> to vector<512x1xi32>
    %eq3A_10 = vector.broadcast %broadcast_in_dim3A_9 : vector<512x1xi32> to vector<512x1024xi32>
    %eq3A_11 = arith.cmpi eq, %iota3A, %eq3A_10 : vector<512x1024xi32>
    %jit3A_12 = arith.constant 0x7F800000 : f32
    %broadcast_in_dim3A_13 = vector.broadcast %jit3A_12 : f32 to vector<512x1024xf32>
    %select_n3A_14 = arith.select %eq3A_11, %broadcast_in_dim3A_13, %get3A_3 : vector<512x1024xi1>, vector<512x1024xf32>
    %reduce_min3A_15 = arith.constant dense<0x7F800000> : vector<512xf32>
    %reduce_min3A_16 = vector.multi_reduction <minimumf>, %select_n3A_14, %reduce_min3A_15 [1] : vector<512x1024xf32> to vector<512xf32>
    %broadcast_in_dim3A_17 = vector.shape_cast %reduce_min3A_16 : vector<512xf32> to vector<512x1xf32>
    %eq3A_18 = vector.broadcast %broadcast_in_dim3A_17 : vector<512x1xf32> to vector<512x1024xf32>
    %eq3A_19 = arith.cmpf oeq, %select_n3A_14, %eq3A_18 : vector<512x1024xf32>
    %jit3A_20 = arith.constant 1024 : i32
    %broadcast_in_dim3A_21 = vector.broadcast %jit3A_20 : i32 to vector<512x1024xi32>
    %select_n3A_22 = arith.select %eq3A_19, %iota3A, %broadcast_in_dim3A_21 : vector<512x1024xi1>, vector<512x1024xi32>
    %reduce_min3A_23 = arith.constant dense<2147483647> : vector<512xi32>
    %reduce_min3A_24 = vector.multi_reduction <minsi>, %select_n3A_22, %reduce_min3A_23 [1] : vector<512x1024xi32> to vector<512xi32>
    %broadcast_in_dim3A_25 = vector.shape_cast %reduce_min3A_24 : vector<512xi32> to vector<512x1xi32>
    %eq3A_26 = vector.broadcast %broadcast_in_dim3A_25 : vector<512x1xi32> to vector<512x1024xi32>
    %eq3A_27 = arith.cmpi eq, %iota3A, %eq3A_26 : vector<512x1024xi32>
    %jit3A_28 = arith.constant 0x7F800000 : f32
    %broadcast_in_dim3A_29 = vector.broadcast %jit3A_28 : f32 to vector<512x1024xf32>
    %select_n3A_30 = arith.select %eq3A_27, %broadcast_in_dim3A_29, %select_n3A_14 : vector<512x1024xi1>, vector<512x1024xf32>
    %reduce_min3A_31 = arith.constant dense<0x7F800000> : vector<512xf32>
    %reduce_min3A_32 = vector.multi_reduction <minimumf>, %select_n3A_30, %reduce_min3A_31 [1] : vector<512x1024xf32> to vector<512xf32>
    %broadcast_in_dim3A_33 = vector.shape_cast %reduce_min3A_32 : vector<512xf32> to vector<512x1xf32>
    %eq3A_34 = vector.broadcast %broadcast_in_dim3A_33 : vector<512x1xf32> to vector<512x1024xf32>
    %eq3A_35 = arith.cmpf oeq, %select_n3A_30, %eq3A_34 : vector<512x1024xf32>
    %jit3A_36 = arith.constant 1024 : i32
    %broadcast_in_dim3A_37 = vector.broadcast %jit3A_36 : i32 to vector<512x1024xi32>
    %select_n3A_38 = arith.select %eq3A_35, %iota3A, %broadcast_in_dim3A_37 : vector<512x1024xi1>, vector<512x1024xi32>
    %reduce_min3A_39 = arith.constant dense<2147483647> : vector<512xi32>
    %reduce_min3A_40 = vector.multi_reduction <minsi>, %select_n3A_38, %reduce_min3A_39 [1] : vector<512x1024xi32> to vector<512xi32>
    %broadcast_in_dim3A_41 = vector.shape_cast %reduce_min3A_40 : vector<512xi32> to vector<512x1xi32>
    %add3A = arith.constant 9.99999993E-9 : f32
    %add3A_42 = vector.broadcast %add3A : f32 to vector<512x1xf32>
    %add3A_43 = arith.addf %broadcast_in_dim3A, %add3A_42 : vector<512x1xf32>
    %div3A = arith.constant 1.000000e+00 : f32
    %div3A_44 = vector.broadcast %div3A : f32 to vector<512x1xf32>
    %div3A_45 = arith.divf %div3A_44, %add3A_43 : vector<512x1xf32>
    %add3A_46 = arith.constant 9.99999993E-9 : f32
    %add3A_47 = vector.broadcast %add3A_46 : f32 to vector<512x1xf32>
    %add3A_48 = arith.addf %broadcast_in_dim3A_17, %add3A_47 : vector<512x1xf32>
    %div3A_49 = arith.constant 1.000000e+00 : f32
    %div3A_50 = vector.broadcast %div3A_49 : f32 to vector<512x1xf32>
    %div3A_51 = arith.divf %div3A_50, %add3A_48 : vector<512x1xf32>
    %add3A_52 = arith.constant 9.99999993E-9 : f32
    %add3A_53 = vector.broadcast %add3A_52 : f32 to vector<512x1xf32>
    %add3A_54 = arith.addf %broadcast_in_dim3A_33, %add3A_53 : vector<512x1xf32>
    %div3A_55 = arith.constant 1.000000e+00 : f32
    %div3A_56 = vector.broadcast %div3A_55 : f32 to vector<512x1xf32>
    %div3A_57 = arith.divf %div3A_56, %add3A_54 : vector<512x1xf32>
    %add3A_58 = arith.addf %div3A_45, %div3A_51 : vector<512x1xf32>
    %add3A_59 = arith.addf %add3A_58, %div3A_57 : vector<512x1xf32>
    %broadcast_in_dim3A_60 = arith.constant 0.000000e+00 : f32
    %broadcast_in_dim3A_61 = vector.broadcast %broadcast_in_dim3A_60 : f32 to vector<512x1024xf32>
    %eq3A_62 = vector.broadcast %broadcast_in_dim3A_9 : vector<512x1xi32> to vector<512x1024xi32>
    %eq3A_63 = arith.cmpi eq, %iota3A, %eq3A_62 : vector<512x1024xi32>
    %div3A_64 = arith.divf %div3A_45, %add3A_59 : vector<512x1xf32>
    %jit3A_65 = arith.constant 0.000000e+00 : f32
    %broadcast_in_dim3A_66 = vector.shape_cast %div3A_64 : vector<512x1xf32> to vector<512x1xf32>
    %broadcast_in_dim3A_67 = vector.broadcast %broadcast_in_dim3A_66 : vector<512x1xf32> to vector<512x1024xf32>
    %broadcast_in_dim3A_68 = vector.broadcast %jit3A_65 : f32 to vector<512x1024xf32>
    %select_n3A_69 = arith.select %eq3A_63, %broadcast_in_dim3A_67, %broadcast_in_dim3A_68 : vector<512x1024xi1>, vector<512x1024xf32>
    %add3A_70 = arith.addf %broadcast_in_dim3A_61, %select_n3A_69 : vector<512x1024xf32>
    %eq3A_71 = vector.broadcast %broadcast_in_dim3A_25 : vector<512x1xi32> to vector<512x1024xi32>
    %eq3A_72 = arith.cmpi eq, %iota3A, %eq3A_71 : vector<512x1024xi32>
    %div3A_73 = arith.divf %div3A_51, %add3A_59 : vector<512x1xf32>
    %jit3A_74 = arith.constant 0.000000e+00 : f32
    %broadcast_in_dim3A_75 = vector.shape_cast %div3A_73 : vector<512x1xf32> to vector<512x1xf32>
    %broadcast_in_dim3A_76 = vector.broadcast %broadcast_in_dim3A_75 : vector<512x1xf32> to vector<512x1024xf32>
    %broadcast_in_dim3A_77 = vector.broadcast %jit3A_74 : f32 to vector<512x1024xf32>
    %select_n3A_78 = arith.select %eq3A_72, %broadcast_in_dim3A_76, %broadcast_in_dim3A_77 : vector<512x1024xi1>, vector<512x1024xf32>
    %add3A_79 = arith.addf %add3A_70, %select_n3A_78 : vector<512x1024xf32>
    %eq3A_80 = vector.broadcast %broadcast_in_dim3A_41 : vector<512x1xi32> to vector<512x1024xi32>
    %eq3A_81 = arith.cmpi eq, %iota3A, %eq3A_80 : vector<512x1024xi32>
    %div3A_82 = arith.divf %div3A_57, %add3A_59 : vector<512x1xf32>
    %jit3A_83 = arith.constant 0.000000e+00 : f32
    %broadcast_in_dim3A_84 = vector.shape_cast %div3A_82 : vector<512x1xf32> to vector<512x1xf32>
    %broadcast_in_dim3A_85 = vector.broadcast %broadcast_in_dim3A_84 : vector<512x1xf32> to vector<512x1024xf32>
    %broadcast_in_dim3A_86 = vector.broadcast %jit3A_83 : f32 to vector<512x1024xf32>
    %select_n3A_87 = arith.select %eq3A_81, %broadcast_in_dim3A_85, %broadcast_in_dim3A_86 : vector<512x1024xi1>, vector<512x1024xf32>
    %add3A_88 = arith.addf %add3A_79, %select_n3A_87 : vector<512x1024xf32>
    %get3A_89 = arith.constant 0 : index
    %get3A_90 = arith.constant 0 : index
    %get3A_91 = arith.constant 0 : index
    %get3A_92 = vector.load %arg3[%get3A_89, %get3A_90, %get3A_91] : memref<1x1024x128xf32, #tpu.memory_space<vmem>>, vector<1x1024x128xf32>
    %get3A_93 = vector.shape_cast %get3A_92 : vector<1x1024x128xf32> to vector<1024x128xf32>
    %dot_general3A = arith.constant dense<0.000000e+00> : vector<512x128xf32>
    %dot_general3A_94 = tpu.matmul %add3A_88, %get3A_93, %dot_general3A {dimension_numbers = #tpu.dot_dimension_numbers<[1], [0], [0], [1], [0, 0, 1, 1], [], []>, precision = #tpu.contract_precision<fp32>, transpose_lhs_hint = false} : vector<512x1024xf32>, vector<1024x128xf32>, vector<512x128xf32> -> vector<512x128xf32>
    %get3A_95 = arith.constant 0 : index
    %get3A_96 = arith.constant 0 : index
    %get3A_97 = vector.load %arg4[%get3A_95, %get3A_96] : memref<128x128xf32, #tpu.memory_space<vmem>>, vector<128x128xf32>
    %get3A_98 = arith.constant 0 : index
    %get3A_99 = vector.load %arg5[%get3A_98] : memref<128xf32, #tpu.memory_space<vmem>>, vector<128xf32>
    %dot_general3A_100 = arith.constant dense<0.000000e+00> : vector<512x128xf32>
    %dot_general3A_101 = tpu.matmul %dot_general3A_94, %get3A_97, %dot_general3A_100 {dimension_numbers = #tpu.dot_dimension_numbers<[1], [0], [0], [1], [0, 0, 1, 1], [], []>, precision = #tpu.contract_precision<fp32>, transpose_lhs_hint = false} : vector<512x128xf32>, vector<128x128xf32>, vector<512x128xf32> -> vector<512x128xf32>
    %broadcast_in_dim3A_102 = vector.shape_cast %get3A_99 : vector<128xf32> to vector<1x128xf32>
    %add3A_103 = vector.broadcast %broadcast_in_dim3A_102 : vector<1x128xf32> to vector<512x128xf32>
    %add3A_104 = arith.addf %dot_general3A_101, %add3A_103 : vector<512x128xf32>
    %max3A = arith.constant 0.000000e+00 : f32
    %max3A_105 = vector.broadcast %max3A : f32 to vector<512x128xf32>
    %max3A_106 = arith.maximumf %add3A_104, %max3A_105 : vector<512x128xf32>
    %get3A_107 = arith.constant 0 : index
    %get3A_108 = arith.constant 0 : index
    %get3A_109 = vector.load %arg6[%get3A_107, %get3A_108] : memref<128x128xf32, #tpu.memory_space<vmem>>, vector<128x128xf32>
    %get3A_110 = arith.constant 0 : index
    %get3A_111 = vector.load %arg7[%get3A_110] : memref<128xf32, #tpu.memory_space<vmem>>, vector<128xf32>
    %dot_general3A_112 = arith.constant dense<0.000000e+00> : vector<512x128xf32>
    %dot_general3A_113 = tpu.matmul %max3A_106, %get3A_109, %dot_general3A_112 {dimension_numbers = #tpu.dot_dimension_numbers<[1], [0], [0], [1], [0, 0, 1, 1], [], []>, precision = #tpu.contract_precision<fp32>, transpose_lhs_hint = false} : vector<512x128xf32>, vector<128x128xf32>, vector<512x128xf32> -> vector<512x128xf32>
    %broadcast_in_dim3A_114 = vector.shape_cast %get3A_111 : vector<128xf32> to vector<1x128xf32>
    %add3A_115 = vector.broadcast %broadcast_in_dim3A_114 : vector<1x128xf32> to vector<512x128xf32>
    %add3A_116 = arith.addf %dot_general3A_113, %add3A_115 : vector<512x128xf32>
    %max3A_117 = arith.constant 0.000000e+00 : f32
    %max3A_118 = vector.broadcast %max3A_117 : f32 to vector<512x128xf32>
    %max3A_119 = arith.maximumf %add3A_116, %max3A_118 : vector<512x128xf32>
    %get3A_120 = arith.constant 0 : index
    %get3A_121 = arith.constant 0 : index
    %get3A_122 = vector.load %arg8[%get3A_120, %get3A_121] : memref<128x128xf32, #tpu.memory_space<vmem>>, vector<128x128xf32>
    %get3A_123 = arith.constant 0 : index
    %get3A_124 = vector.load %arg9[%get3A_123] : memref<128xf32, #tpu.memory_space<vmem>>, vector<128xf32>
    %dot_general3A_125 = arith.constant dense<0.000000e+00> : vector<512x128xf32>
    %dot_general3A_126 = tpu.matmul %max3A_119, %get3A_122, %dot_general3A_125 {dimension_numbers = #tpu.dot_dimension_numbers<[1], [0], [0], [1], [0, 0, 1, 1], [], []>, precision = #tpu.contract_precision<fp32>, transpose_lhs_hint = false} : vector<512x128xf32>, vector<128x128xf32>, vector<512x128xf32> -> vector<512x128xf32>
    %broadcast_in_dim3A_127 = vector.shape_cast %get3A_124 : vector<128xf32> to vector<1x128xf32>
    %add3A_128 = vector.broadcast %broadcast_in_dim3A_127 : vector<1x128xf32> to vector<512x128xf32>
    %add3A_129 = arith.addf %dot_general3A_126, %add3A_128 : vector<512x128xf32>
    %max3A_130 = arith.constant 0.000000e+00 : f32
    %max3A_131 = vector.broadcast %max3A_130 : f32 to vector<512x128xf32>
    %max3A_132 = arith.maximumf %add3A_129, %max3A_131 : vector<512x128xf32>
    %swap3A = arith.constant 0 : index
    %swap3A_133 = arith.constant 0 : index
    %swap3A_134 = arith.constant 0 : index
    %swap3A_135 = vector.load %arg18[%swap3A, %swap3A_133, %swap3A_134] : memref<1x512x128xf32, #tpu.memory_space<vmem>>, vector<1x512x128xf32>
    %swap3A_136 = vector.shape_cast %swap3A_135 : vector<1x512x128xf32> to vector<512x128xf32>
    %swap3A_137 = vector.shape_cast %max3A_132 : vector<512x128xf32> to vector<1x512x128xf32>
    tpu.vector_store %arg18[%swap3A, %swap3A_133, %swap3A_134], %swap3A_137 {strides = array<i32>} : memref<1x512x128xf32, #tpu.memory_space<vmem>>, vector<1x512x128xf32>,
    %get3A_138 = arith.constant 0 : index
    %get3A_139 = arith.constant 0 : index
    %get3A_140 = vector.load %arg10[%get3A_138, %get3A_139] : memref<128x128xf32, #tpu.memory_space<vmem>>, vector<128x128xf32>
    %get3A_141 = arith.constant 0 : index
    %get3A_142 = vector.load %arg11[%get3A_141] : memref<128xf32, #tpu.memory_space<vmem>>, vector<128xf32>
    %get3A_143 = arith.constant 0 : index
    %get3A_144 = arith.constant 0 : index
    %get3A_145 = vector.load %arg12[%get3A_143, %get3A_144] : memref<128x2xf32, #tpu.memory_space<vmem>>, vector<128x2xf32>
    %get3A_146 = arith.constant 0 : index
    %get3A_147 = vector.load %arg13[%get3A_146] : memref<2xf32, #tpu.memory_space<vmem>>, vector<2xf32>
    %get3A_148 = arith.constant 0 : index
    %get3A_149 = arith.constant 0 : index
    %get3A_150 = vector.load %arg14[%get3A_148, %get3A_149] : memref<128x128xf32, #tpu.memory_space<vmem>>, vector<128x128xf32>
    %get3A_151 = arith.constant 0 : index
    %get3A_152 = vector.load %arg15[%get3A_151] : memref<128xf32, #tpu.memory_space<vmem>>, vector<128xf32>
    %get3A_153 = arith.constant 0 : index
    %get3A_154 = arith.constant 0 : index
    %get3A_155 = vector.load %arg16[%get3A_153, %get3A_154] : memref<128x3xf32, #tpu.memory_space<vmem>>, vector<128x3xf32>
    %get3A_156 = arith.constant 0 : index
    %get3A_157 = vector.load %arg17[%get3A_156] : memref<3xf32, #tpu.memory_space<vmem>>, vector<3xf32>
    %dot_general3A_158 = arith.constant dense<0.000000e+00> : vector<512x128xf32>
    %dot_general3A_159 = tpu.matmul %max3A_132, %get3A_140, %dot_general3A_158 {dimension_numbers = #tpu.dot_dimension_numbers<[1], [0], [0], [1], [0, 0, 1, 1], [], []>, precision = #tpu.contract_precision<fp32>, transpose_lhs_hint = false} : vector<512x128xf32>, vector<128x128xf32>, vector<512x128xf32> -> vector<512x128xf32>
    %broadcast_in_dim3A_160 = vector.shape_cast %get3A_142 : vector<128xf32> to vector<1x128xf32>
    %add3A_161 = vector.broadcast %broadcast_in_dim3A_160 : vector<1x128xf32> to vector<512x128xf32>
    %add3A_162 = arith.addf %dot_general3A_159, %add3A_161 : vector<512x128xf32>
    %max3A_163 = arith.constant 0.000000e+00 : f32
    %max3A_164 = vector.broadcast %max3A_163 : f32 to vector<512x128xf32>
    %max3A_165 = arith.maximumf %add3A_162, %max3A_164 : vector<512x128xf32>
    %dot_general3A_166 = arith.constant dense<0.000000e+00> : vector<512x2xf32>
    %dot_general3A_167 = tpu.matmul %max3A_165, %get3A_145, %dot_general3A_166 {dimension_numbers = #tpu.dot_dimension_numbers<[1], [0], [0], [1], [0, 0, 1, 1], [], []>, precision = #tpu.contract_precision<fp32>, transpose_lhs_hint = false} : vector<512x128xf32>, vector<128x2xf32>, vector<512x2xf32> -> vector<512x2xf32>
    %broadcast_in_dim3A_168 = vector.shape_cast %get3A_147 : vector<2xf32> to vector<1x2xf32>
    %add3A_169 = vector.broadcast %broadcast_in_dim3A_168 : vector<1x2xf32> to vector<512x2xf32>
    %add3A_170 = arith.addf %dot_general3A_167, %add3A_169 : vector<512x2xf32>
    %swap3A_171 = arith.constant 0 : index
    %swap3A_172 = arith.constant 0 : index
    %swap3A_173 = arith.constant 0 : index
    %swap3A_174 = vector.load %arg19[%swap3A_171, %swap3A_172, %swap3A_173] : memref<1x512x2xf32, #tpu.memory_space<vmem>>, vector<1x512x2xf32>
    %swap3A_175 = vector.shape_cast %swap3A_174 : vector<1x512x2xf32> to vector<512x2xf32>
    %swap3A_176 = vector.shape_cast %add3A_170 : vector<512x2xf32> to vector<1x512x2xf32>
    tpu.vector_store %arg19[%swap3A_171, %swap3A_172, %swap3A_173], %swap3A_176 {strides = array<i32>} : memref<1x512x2xf32, #tpu.memory_space<vmem>>, vector<1x512x2xf32>,
    %dot_general3A_177 = arith.constant dense<0.000000e+00> : vector<512x128xf32>
    %dot_general3A_178 = tpu.matmul %max3A_132, %get3A_150, %dot_general3A_177 {dimension_numbers = #tpu.dot_dimension_numbers<[1], [0], [0], [1], [0, 0, 1, 1], [], []>, precision = #tpu.contract_precision<fp32>, transpose_lhs_hint = false} : vector<512x128xf32>, vector<128x128xf32>, vector<512x128xf32> -> vector<512x128xf32>
    %broadcast_in_dim3A_179 = vector.shape_cast %get3A_152 : vector<128xf32> to vector<1x128xf32>
    %add3A_180 = vector.broadcast %broadcast_in_dim3A_179 : vector<1x128xf32> to vector<512x128xf32>
    %add3A_181 = arith.addf %dot_general3A_178, %add3A_180 : vector<512x128xf32>
    %max3A_182 = arith.constant 0.000000e+00 : f32
    %max3A_183 = vector.broadcast %max3A_182 : f32 to vector<512x128xf32>
    %max3A_184 = arith.maximumf %add3A_181, %max3A_183 : vector<512x128xf32>
    %dot_general3A_185 = arith.constant dense<0.000000e+00> : vector<512x3xf32>
    %dot_general3A_186 = tpu.matmul %max3A_184, %get3A_155, %dot_general3A_185 {dimension_numbers = #tpu.dot_dimension_numbers<[1], [0], [0], [1], [0, 0, 1, 1], [], []>, precision = #tpu.contract_precision<fp32>, transpose_lhs_hint = false} : vector<512x128xf32>, vector<128x3xf32>, vector<512x3xf32> -> vector<512x3xf32>
    %broadcast_in_dim3A_187 = vector.shape_cast %get3A_157 : vector<3xf32> to vector<1x3xf32>
    %add3A_188 = vector.broadcast %broadcast_in_dim3A_187 : vector<1x3xf32> to vector<512x3xf32>
    %add3A_189 = arith.addf %dot_general3A_186, %add3A_188 : vector<512x3xf32>
    %swap3A_190 = arith.constant 0 : index
    %swap3A_191 = arith.constant 0 : index
    %swap3A_192 = arith.constant 0 : index
    %swap3A_193 = vector.load %arg20[%swap3A_190, %swap3A_191, %swap3A_192] : memref<1x512x3xf32, #tpu.memory_space<vmem>>, vector<1x512x3xf32>
    %swap3A_194 = vector.shape_cast %swap3A_193 : vector<1x512x3xf32> to vector<512x3xf32>
    %swap3A_195 = vector.shape_cast %add3A_189 : vector<512x3xf32> to vector<1x512x3xf32>
    tpu.vector_store %arg20[%swap3A_190, %swap3A_191, %swap3A_192], %swap3A_195 {strides = array<i32>} : memref<1x512x3xf32, #tpu.memory_space<vmem>>, vector<1x512x3xf32>,
    return
  }
  func.func @transform_0(%arg0: i32, %arg1: i32) -> (i32, i32, i32) {
    %c0_i32 = arith.constant 0 : i32
    %c0_i32_0 = arith.constant 0 : i32
    return %arg0, %arg1, %c0_i32 : i32, i32, i32
  }
  func.func @transform_1(%arg0: i32, %arg1: i32) -> (i32, i32, i32) {
    %c0_i32 = arith.constant 0 : i32
    %c0_i32_0 = arith.constant 0 : i32
    %c0_i32_1 = arith.constant 0 : i32
    return %arg0, %c0_i32, %c0_i32_0 : i32, i32, i32
  }
  func.func @transform_2(%arg0: i32, %arg1: i32) -> (i32, i32) {
    %c0_i32 = arith.constant 0 : i32
    %c0_i32_0 = arith.constant 0 : i32
    %c0_i32_1 = arith.constant 0 : i32
    return %c0_i32, %c0_i32_0 : i32, i32
  }
  func.func @transform_3(%arg0: i32, %arg1: i32) -> i32 {
    %c0_i32 = arith.constant 0 : i32
    %c0_i32_0 = arith.constant 0 : i32
    return %c0_i32 : i32
  }
  func.func @transform_4(%arg0: i32, %arg1: i32) -> (i32, i32) {
    %c0_i32 = arith.constant 0 : i32
    %c0_i32_0 = arith.constant 0 : i32
    %c0_i32_1 = arith.constant 0 : i32
    return %c0_i32, %c0_i32_0 : i32, i32
  }
  func.func @transform_5(%arg0: i32, %arg1: i32) -> i32 {
    %c0_i32 = arith.constant 0 : i32
    %c0_i32_0 = arith.constant 0 : i32
    return %c0_i32 : i32
  }
  func.func @transform_6(%arg0: i32, %arg1: i32) -> (i32, i32) {
    %c0_i32 = arith.constant 0 : i32
    %c0_i32_0 = arith.constant 0 : i32
    %c0_i32_1 = arith.constant 0 : i32
    return %c0_i32, %c0_i32_0 : i32, i32
  }
  func.func @transform_7(%arg0: i32, %arg1: i32) -> i32 {
    %c0_i32 = arith.constant 0 : i32
    %c0_i32_0 = arith.constant 0 : i32
    return %c0_i32 : i32
  }
  func.func @transform_8(%arg0: i32, %arg1: i32) -> (i32, i32) {
    %c0_i32 = arith.constant 0 : i32
    %c0_i32_0 = arith.constant 0 : i32
    %c0_i32_1 = arith.constant 0 : i32
    return %c0_i32, %c0_i32_0 : i32, i32
  }
  func.func @transform_9(%arg0: i32, %arg1: i32) -> i32 {
    %c0_i32 = arith.constant 0 : i32
    %c0_i32_0 = arith.constant 0 : i32
    return %c0_i32 : i32
  }
  func.func @transform_10(%arg0: i32, %arg1: i32) -> (i32, i32) {
    %c0_i32 = arith.constant 0 : i32
    %c0_i32_0 = arith.constant 0 : i32
    %c0_i32_1 = arith.constant 0 : i32
    return %c0_i32, %c0_i32_0 : i32, i32
  }
  func.func @transform_11(%arg0: i32, %arg1: i32) -> i32 {
    %c0_i32 = arith.constant 0 : i32
    %c0_i32_0 = arith.constant 0 : i32
    return %c0_i32 : i32
  }
  func.func @transform_12(%arg0: i32, %arg1: i32) -> (i32, i32) {
    %c0_i32 = arith.constant 0 : i32
    %c0_i32_0 = arith.constant 0 : i32
    %c0_i32_1 = arith.constant 0 : i32
    return %c0_i32, %c0_i32_0 : i32, i32
  }
  func.func @transform_13(%arg0: i32, %arg1: i32) -> i32 {
    %c0_i32 = arith.constant 0 : i32
    %c0_i32_0 = arith.constant 0 : i32
    return %c0_i32 : i32
  }
  func.func @transform_14(%arg0: i32, %arg1: i32) -> (i32, i32) {
    %c0_i32 = arith.constant 0 : i32
    %c0_i32_0 = arith.constant 0 : i32
    %c0_i32_1 = arith.constant 0 : i32
    return %c0_i32, %c0_i32_0 : i32, i32
  }
  func.func @transform_15(%arg0: i32, %arg1: i32) -> i32 {
    %c0_i32 = arith.constant 0 : i32
    %c0_i32_0 = arith.constant 0 : i32
    return %c0_i32 : i32
  }
  func.func @transform_16(%arg0: i32, %arg1: i32) -> (i32, i32, i32) {
    %c0_i32 = arith.constant 0 : i32
    %c0_i32_0 = arith.constant 0 : i32
    return %arg0, %arg1, %c0_i32 : i32, i32, i32
  }
  func.func @transform_17(%arg0: i32, %arg1: i32) -> (i32, i32, i32) {
    %c0_i32 = arith.constant 0 : i32
    %c0_i32_0 = arith.constant 0 : i32
    return %arg0, %arg1, %c0_i32 : i32, i32, i32
  }
  func.func @transform_18(%arg0: i32, %arg1: i32) -> (i32, i32, i32) {
    %c0_i32 = arith.constant 0 : i32
    %c0_i32_0 = arith.constant 0 : i32
    return %arg0, %arg1, %c0_i32 : i32, i32, i32
  }
}

</mosaic_0001>

<sc_bundles>
// kernel: gather_offload_async_start
scs
__scs_entry_jumppad:
0x0: {  	(pc) =	sbr.rel $0x88, $3  }
0x1: {  	(tag) =	ssettag $0x0;
	lr =	simm.s32 $0x1  }
0x2: {  	[smem:$0x3F11] =	sst lr;
	_ =	strace $0xD0000000  }
0x3: {  	_ = 	snop  }
0x4: {  	_ = 	snop  }
0x5: {  	_ = 	snop  }
0x6: {  	_ = 	snop  }
0x7: {  	_ = 	snop  }
__scs_overlays_trampoline_lowered:
0x8: {  	[smem:$0x3F20] =	sst s0  }
0x9: {  	[smem:$0x3F21] =	sst s1  }
0xa: {  	[smem:$0x3F22] =	sst s2  }
0xb: {  	[smem:$0x3F23] =	sst s3  }
0xc: {  	[smem:$0x3F24] =	sst s4  }
0xd: {  	[smem:$0x3F25] =	sst s5  }
0xe: {  	[smem:$0x3F26] =	sst s6  }
0xf: {  	[smem:$0x3F27] =	sst s7  }
0x10: {  	[smem:$0x3F28] =	sst s8  }
0x11: {  	[smem:$0x3F29] =	sst s9;
	s0 =	simm.s32 @!p0 $0x0  }
0x12: {  	s1 =	sld [smem:$0x3F0F];
	s0 =	simm.s32 @p0 $0x1  }
0x13: {  	[smem:$0x3F2A] =	sst s0;
	s0 =	simm.s32 @!p1 $0x0  }
0x14: {  	s2 =	sld [smem:$0x3F0E];
	s0 =	simm.s32 @p1 $0x1  }
0x15: {  	[smem:$0x3F2B] =	sst s0;
	s0 =	simm.s32 @!p2 $0x0  }
0x16: {  	s3 =	sld [smem:$0x3FDB];
	s0 =	simm.s32 @p2 $0x1  }
0x17: {  	s4 =	simm.s32 $0x1BF5;
	[smem:$0x3F2D] =	sst s0  }
0x18: {  	s0 =	sld [smem:$0x3F10];
	_ =	swait.ge [sflag:s4], $0x0  }
0x19: {  	s7 =	sld [smem:$0x3F11]  }
0x1a: {  	s8 =	sadd.s32 $0xFFFFE003, lr  }
0x1b: {  	s9 =	sadd.s32 $0xFFFFFEF7, lr;
	s5 =	simm.s32 $0xFFFFFFFF;
	p2 =	slt.u32 s8, $0xFFFFF086  }
0x1c: {  	p1 =	slt.u32 s9, $0xF7A;
	s5 =	simm.s32 @!p2 $0x0  }
0x1d: {  	s5 =	simm.s32 @p1 $0x1;
	p0 =	seq.s32 s7, s2  }
0x1e: {  	s7 =	smul.u32 @!p0 $0xF7A, s2;
	p2 =	seq.s32 @!p0 s5, $0x0  }
0x1f: {  	s9 =	smul.u32 $0xF7A, s1;
	s8 =	simm.s32 @!p0 $0x1BF5;
	p2 =	por !p2, p0  }
0x20: {  	[sflag:s8] =	ssyncset.s32 @!p0 $0xFFFFF086;
	s6 =	sadd.s32 @!p0 s3, s7;
	s7 =	simm.s32 @!p0 $0x108  }
0x21: {  	s3 =	sadd.s32 s3, s9;
	s6 =	sadd.s32 @!p0 $0x88, s6;
	s7 =	simm.s32 @p2 $0x1082  }
0x22: {  	[simem:s7], [sflag:s8] =	dma.local @!p0 [hbm:s6], $0xF7A  }
0x23: {  	s9 =	sor.u32 $0xD0000000, s2;
	s6 =	simm.s32 $0x108;
	_ =	swait.ge @!p0 [sflag:s8], $0x0  }
0x24: {  	s3 =	sadd.s32 $0x88, s3;
	s6 =	simm.s32 @!p1 $0x1082;
	[sflag:s4] =	ssyncset.s32 $0xFFFFF086  }
0x25: {  	[simem:s6], [sflag:s4] =	dma.local [hbm:s3], $0xF7A  }
0x26: {  	[smem:$0x3F11] =	sst s1;
	(tag) =	ssettag s2;
	_ =	strace s9  }
0x27: {  	s1 =	sld [smem:$0x3F21]  }
0x28: {  	s2 =	sld [smem:$0x3F22]  }
0x29: {  	s4 =	sld [smem:$0x3F24]  }
0x2a: {  	p0 =	seq.s32 s5, $0x0;
	s5 =	sld [smem:$0x3F25]  }
0x2b: {  	s6 =	sld [smem:$0x3F26]  }
0x2c: {  	s7 =	sld [smem:$0x3F27]  }
0x2d: {  	s3 =	simm.s32 $0x108;
	s8 =	sld [smem:$0x3F28]  }
0x2e: {  	s3 =	simm.s32 @!p0 $0x1082;
	s9 =	sld [smem:$0x3F29]  }
0x2f: {  	lr =	sadd.s32 s0, s3;
	s0 =	sld [smem:$0x3F20]  }
0x30: {  	s3 =	sld [smem:$0x3F23]  }
0x31: {  	[smem:$0x3F2C] =	sst s10  }
0x32: {  	s10 =	sld [smem:$0x3F2A];
	_ =	sdelay $0x3  }
0x33: {  	p0 =	seq.s32 s10, $0x1;
	s10 =	sld [smem:$0x3F2C];
	_ =	sdelay $0x3  }
0x34: {  	[smem:$0x3F2C] =	sst s10  }
0x35: {  	s10 =	sld [smem:$0x3F2B];
	_ =	sdelay $0x3  }
0x36: {  	p1 =	seq.s32 s10, $0x1;
	s10 =	sld [smem:$0x3F2C];
	_ =	sdelay $0x3  }
0x37: {  	[smem:$0x3F2C] =	sst s10  }
0x38: {  	s10 =	sld [smem:$0x3F2D]  }
0x39: {  	_ = 	snop;
	(pc) =	sbr.ind lr, $3  }
0x3a: {  	_ = 	snop  }
0x3b: {  	_ = 	snop  }
0x3c: {  	p2 =	seq.s32 s10, $0x1;
	s10 =	sld [smem:$0x3F2C]  }
0x3d: {  	_ =	shalt  }
0x3e: {  	_ =	shalt  }
0x3f: {  	_ =	shalt  }
0x40: {  	_ =	shalt  }
0x41: {  	_ =	shalt  }
0x42: {  	_ =	shalt  }
0x43: {  	_ =	shalt  }
0x44: {  	_ =	shalt  }
0x45: {  	_ =	shalt  }
0x46: {  	_ =	shalt  }
0x47: {  	_ =	shalt  }
0x48: {  	_ =	shalt  }
0x49: {  	_ =	shalt  }
0x4a: {  	_ =	shalt  }
0x4b: {  	_ =	shalt  }
0x4c: {  	_ =	shalt  }
0x4d: {  	_ =	shalt  }
0x4e: {  	_ =	shalt  }
0x4f: {  	_ =	shalt  }
0x50: {  	_ =	shalt  }
0x51: {  	_ =	shalt  }
0x52: {  	_ =	shalt  }
0x53: {  	_ =	shalt  }
0x54: {  	_ =	shalt  }
0x55: {  	_ =	shalt  }
0x56: {  	_ =	shalt  }
0x57: {  	_ =	shalt  }
0x58: {  	_ =	shalt  }
0x59: {  	_ =	shalt  }
0x5a: {  	_ =	shalt  }
0x5b: {  	_ =	shalt  }
0x5c: {  	_ =	shalt  }
0x5d: {  	_ =	shalt  }
0x5e: {  	_ =	shalt  }
0x5f: {  	_ =	shalt  }
0x60: {  	_ =	shalt  }
0x61: {  	_ =	shalt  }
0x62: {  	_ =	shalt  }
0x63: {  	_ =	shalt  }
0x64: {  	_ =	shalt  }
0x65: {  	_ =	shalt  }
0x66: {  	_ =	shalt  }
0x67: {  	_ =	shalt  }
0x68: {  	_ =	shalt  }
0x69: {  	_ =	shalt  }
0x6a: {  	_ =	shalt  }
0x6b: {  	_ =	shalt  }
0x6c: {  	_ =	shalt  }
0x6d: {  	_ =	shalt  }
0x6e: {  	_ =	shalt  }
0x6f: {  	_ =	shalt  }
0x70: {  	_ =	shalt  }
0x71: {  	_ =	shalt  }
0x72: {  	_ =	shalt  }
0x73: {  	_ =	shalt  }
0x74: {  	_ =	shalt  }
0x75: {  	_ =	shalt  }
0x76: {  	_ =	shalt  }
0x77: {  	_ =	shalt  }
0x78: {  	_ =	shalt  }
0x79: {  	_ =	shalt  }
0x7a: {  	_ =	shalt  }
0x7b: {  	_ =	shalt  }
0x7c: {  	_ =	shalt  }
0x7d: {  	_ =	shalt  }
0x7e: {  	_ =	shalt  }
0x7f: {  	_ =	shalt  }
0x80: {  	_ =	shalt  }
0x81: {  	_ =	shalt  }
0x82: {  	_ =	shalt  }
0x83: {  	_ =	shalt  }
0x84: {  	_ =	shalt  }
0x85: {  	_ =	shalt  }
0x86: {  	_ =	shalt  }
0x87: {  	_ =	shalt  }
.Lfunc_end0:
.L_simem_size_0:
called_computation_lowered:
.L_overlay_start_0:
0x88: {  	s2 =	sld [smem:$0x3FD9]  }
0x89: {  	s3 =	sld [smem:$0x3FFE];
	_ =	sdelay $0x1  }
0x8a: {  	s1 =	srdreg.scid  }
0x8b: {  	s0 =	sand.u32 $0x1, s1  }
0x8c: {  	s14 =	sshll.u32 s0, $0xA;
	s2 =	sadd.s32 s3, s2  }
0x8d: {  	s2 =	sadd.s32 s2, s14  }
0x8e: {  	[smem:$0x3F38] =	sst s2  }
0x8f: {  	_ = 	snop  }
0x90: {  	s2 =	sld [smem:$0x3FD0];
	_ =	sdelay $0x2  }
0x91: {  	s15 =	simm.s32 $0xA;
	s4 =	simm.s32 $0x10  }
0x92: {  	[smem:s4], [sflag:s15] =	dma.local [hbm:s2], $0x1  }
0x93: {  	_ =	swait.eq [sflag:s15], $0x1  }
0x94: {  	[sflag:s15] =	ssyncset.done $0x0  }
0x95: {  	s16 =	sld [smem:$0x10];
	[sflag:s15] =	ssyncadd.s32 $0xFFFFFFFF  }
0x96: {  	s17 =	sld [smem:$0x11];
	(tm) =	ssettm $0x1  }
0x97: {  	s18 =	sld [smem:$0x3FFB];
	_ =	sdelay $0x3  }
0x98: {  	_ =	strace s18  }
0x99: {  	s4 =	sld [smem:$0x3FFC];
	_ =	sdelay $0x3  }
0x9a: {  	_ =	strace s4  }
0x9b: {  	s4 =	sld [smem:$0x3FFD];
	_ =	sdelay $0x3  }
0x9c: {  	_ =	strace s4  }
0x9d: {  	_ =	strace $0x8FFFFFFF  }
0x9e: {  	s19 =	sld [smem:$0x3FDB];
	_ =	sdelay $0x1  }
0x9f: {  	s5 =	simm.s32 $_scs_section_size  }
0xa0: {  	s6 =	simm.s32 $_size__tile_overlayer_lowered;
	s7 =	simm.s32 $_tile_overlayer_lowered  }
0xa1: {  	s22 =	simm.s32 $0x1BFF;
	s21 =	sshll.u32 s7, $0x1;
	s4 =	sadd.s32 s5, s19  }
0xa2: {  	s8 =	simm.s32 $0x0;
	s20 =	sshll.u32 s6, $0x1;
	s6 =	sadd.s32 s21, s4  }
0xa3: {  	[timem:s8], [sflag:s22] =	dma.local [hbm:s6], s20  }
0xa4: {  	_ =	swait.ge [sflag:s22], s20  }
0xa5: {  	s5 =	ssub.s32 $0x0, s20;
	[sflag:s22] =	ssyncset.done $0x0  }
0xa6: {  	[sflag:s22] =	ssyncadd.s32 s5;
	_ =	sdelay $0x1  }
0xa7: {  	s23 =	simm.s32 $0x1B8B  }
0xa8: {  	_ =	swait.ge [sflag:s23], $0x1  }
0xa9: {  	[sflag:s23] =	ssyncset.done $0x0  }
0xaa: {  	s25 =	simm.s32 $0x1B8E;
	s24 =	sld [smem:$0x3FFE];
	[sflag:s23] =	ssyncadd.s32 $0xFFFFFFFF  }
0xab: {  	s26 =	simm.s32 $execute0_lowered;
	[smem:$0x3FD2] =	sst s25  }
0xac: {  	s6 =	sshll.u32 s26, $0x1;
	_ =	strace $0x80000046;
	[dreg:$0x1] =	wrdreg $0xFFFFFFFF  }
0xad: {  	s28 =	simm.s32 $_size_execute0_lowered;
	s4 =	sadd.s32 s4, s6;
	[dreg:$0x0] =	wrdreg $0x0  }
0xae: {  	s6 =	sshll.u32 s28, $0x1;
	[dreg:$0x2] =	wrdreg s4  }
0xaf: {  	[dreg:$0x3] =	wrdreg s6  }
0xb0: {  	[dreg:$0x4] =	wrdreg $0xC0  }
0xb1: {  	_ =	task [dreg:s8], $0x5FFFF  }
0xb2: {  	[dreg:$0x1] =	wrdreg $0xFFFFFFFF  }
0xb3: {  	[dreg:$0x0] =	wrdreg $0x60  }
0xb4: {  	[dreg:$0x2] =	wrdreg s16  }
0xb5: {  	[dreg:$0x3] =	wrdreg s17  }
0xb6: {  	[dreg:$0x4] =	wrdreg s24  }
0xb7: {  	[dreg:$0x5] =	wrdreg $0x9  }
0xb8: {  	_ =	task.clear_ibuf [dreg:s8], $0x6FFFF;
	_ =	strace $0x90000046  }
0xb9: {  	s29 =	simm.s32 $0x9;
	_ =	strace $0x80000048  }
0xba: {  	_ =	swait.ge [sflag:s29], $0x1  }
0xbb: {  	[sflag:s29] =	ssyncadd.s32 $0xFFFFFFFF  }
0xbc: {  	_ =	strace $0x90000048  }
0xbd: {  	_ =	sfence  }
0xbe: {  	s30 =	sld [smem:$0x0];
	_ =	sdelay $0x2  }
0xbf: {  	s31 =	sshll.u32 s1, $0xD;
	s1 =	sshrl.u32 s1, $0x2  }
0xc0: {  	s3 =	sand.u32 $0x4000, s31;
	s1 =	sadd.s32 s1, s30  }
0xc1: {  	s0 =	sor.u32 s3, s0;
	s1 =	sshll.u32 s1, $0x11  }
0xc2: {  	s0 =	sor.u32 s1, s0  }
0xc3: {  	s0 =	sadd.s32 $0x8F2B, s0  }
0xc4: {  	[sflag:s0] =	ssyncadd.remote.s32 $0x1  }
0xc5: {  	_ =	sfence.sel $0xFFFF  }
0xc6: {  	[dreg:$0x0] =	wrdreg $0xFFFFFFFF;
	(pc) =	sbr.abs _section_cstart, $3  }
0xc7: {  	[dreg:$0x1] =	wrdreg $0xFFFFFFFF  }
0xc8: {  	_ =	task.clear_ibuf [dreg:s8], $0x2FFFF;
	_ =	strace $0x9FFFFFFF  }
0xc9: {  	(tm) =	ssettm $0x7FFFFFFF  }
tec
execute0_lowered:
.L_overlay_start_1:
0x0: {  	(tag) =	ssettag $0x1  }
0x1: {  	s2 =	rddreg [dreg:$0x0]  }
0x2: {  	s3 =	rddreg [dreg:$0x1]  }
0x3: {  	s7 =	rddreg [dreg:$0x2]  }
0x4: {  	s0 =	rddreg [dreg:$0x3];
	s1 =	srdreg.scid;
	_ =	strace $0x80000047  }
0x5: {  	s4 =	simm.s32 $0x1;
	s9 =	simm.s32 $0x3;
	s5 =	sshll.u32 s1, $0x4  }
.Ltmp0:
0x6: {  	s1 =	stileid.u32;
	s5 =	sand.u32 $0x10, s5;
	(pc) =	sbr.rel .LBB2_1-.Ltmp0, $4  }
0x7: {  	s12 =	simm.s32 $0x0;
	s10 =	simm.s32 $0x0;
	s6 =	sor.u32 s1, s5  }
0x8: {  	[sflag:s4] =	ssyncpa.u1 $0x0;
	s5 =	simm.s32 $0x2;
	s6 =	sshll.u32 s6, $0x6  }
0x9: {  	s7 =	sadd.s32 $0x1B000, s7;
	[sflag:s5] =	ssyncpa.u1 $0x0;
	s8 =	sadd.s32 $0x40, s6  }
0xa: {  	vm0 =	vmmov $0xff;
	vm1 =	vcmask $0x3F20;
	[sflag:s9] =	ssyncpa.u1 $0x0;
	s9 =	simm.s32 $0x40;
	s11 =	smov.u32 s6  }
.LBB2_9:
0xb: {  	p0 =	seq.s32 s10, $0x2  }
.Ltmp1:
0xc: {  	_ = 	snop;
	(pc) =	sbr.rel @p0 .LBB2_11-.Ltmp1, $1  }
0xd: {  	_ =	sdelay $0x3  }
.LBB2_10:
0xe: {  	s12 =	sadd.s32 $0x40, s11  }
0xf: {  	s13 =	smov.u32 s6;
	p0 =	slt.s32 s12, s8  }
0x10: {  	s13 =	smov.u32 @p0 s12  }
0x11: {  	s10 =	sadd.s32 $0x1, s10;
	s12 =	smov.u32 s11;
	s11 =	smov.u32 s13  }
.LBB2_1:
0x12: {  	p0 =	sne.s32 s10, $0x0  }
.Ltmp2:
0x13: {  	_ = 	snop;
	(pc) =	sbr.rel @!p0 .LBB2_2-.Ltmp2, $1  }
0x14: {  	_ =	sdelay $0x3  }
0x15: {  	s13 =	sand.u32 $0x1, s10  }
0x16: {  	p0 =	seq.s32 s13, $0x0  }
.Ltmp3:
0x17: {  	_ = 	snop;
	(pc) =	sbr.rel @p0 .LBB2_9-.Ltmp3, $1  }
0x18: {  	_ =	sdelay $0x3  }
0x19: {  	_ =	swait.ge [sflag:s5], $0x40  }
0x1a: {  	[sflag:s5] =	ssyncset.done $0x0  }
0x1b: {  	s13 =	simm.s32 $0x0;
	[sflag:s5] =	ssyncadd.s32 $0xFFFFFFC0  }
0x1c: {  	v0 =	vld.msk [tilespmem:s13+$0x40 ss:$0x1], $0xffff;
	_ =	sdelay $0x4  }
0x1d: {  	v1 =	vshll.u32 v0, $0x6  }
0x1e: {  	vm2 =	veq.s32 v0, $0x80000000;
	v0 =	vshll.u32 v0, $0x15;
	v1 =	vand.u32 $0x1FFF80, v1  }
0x1f: {  	v0 =	vand.u32 $0x200000, v0;
	v1 =	vsel vm2, $0xFFFFFF80, v1  }
0x20: {  	v0 =	vsel vm2, $0xFFE00000, v0;
	v2 =	vand.u32 $0xFFFFFC00, v1  }
0x21: {  	v1 =	vand.u32 $0x380, v1;
	v0 =	vadd.s32 v0, v2  }
0x22: {  	v0 =	vor.u32 v1, v0  }
0x23: {  	v0 =	vshrl.u32 v0, $0x3;
	_ =	sdelay $0x3  }
0x24: {  	s13 =	simm.s32 $0x2080  }
0x25: {  	[tilespmem:s13], [sflag:$0x1] =	stream.indirect_vreg.gather [hbm:s2], $0x80, v0, vm0, $0x38;
	[tilespmem:$0x4080] =	vst v63  }
0x26: {  	s14 =	simm.s32 $0x2480;
	s31 =	simm.s32 $0x10  }
0x27: {  	[tilespmem:s14], [sflag:$0x1] =	stream.indirect_vreg.gather [hbm:s2], $0x80, v0, vm1, $0x38;
	[tilespmem:$0x4080] =	vst v63  }
0x28: {  	s14 =	simm.s32 $0x80;
	v0 =	vld.msk [tilespmem:s31+$0x40 ss:$0x1], $0xffff  }
.LBB2_5:
0x29: {  	p0 =	sne.s32 s14, $0xC0;
	_ =	sdelay $0x4  }
0x2a: {  	v1 =	vshll.u32 v0, $0x6  }
0x2b: {  	vm2 =	veq.s32 v0, $0x80000000;
	v0 =	vshll.u32 v0, $0x15;
	v1 =	vand.u32 $0x1FFF80, v1  }
0x2c: {  	v0 =	vand.u32 $0x200000, v0;
	v1 =	vsel vm2, $0xFFFFFF80, v1  }
0x2d: {  	v0 =	vsel vm2, $0xFFE00000, v0;
	v2 =	vand.u32 $0xFFFFFC00, v1  }
0x2e: {  	v1 =	vand.u32 $0x380, v1;
	v0 =	vadd.s32 v0, v2  }
0x2f: {  	v0 =	vor.u32 v1, v0  }
0x30: {  	v0 =	vshrl.u32 v0, $0x3;
	_ =	sdelay $0x3  }
.Ltmp4:
0x31: {  	s13 =	sadd.s32 $0x800, s13;
	(pc) =	sbr.rel @p0 .LBB2_5-.Ltmp4, $4  }
0x32: {  	[tilespmem:s13], [sflag:$0x1] =	stream.indirect_vreg.gather [hbm:s2], $0x80, v0, vm0, $0x38;
	[tilespmem:$0x4080] =	vst v63  }
0x33: {  	s15 =	sshra.s32 s14, $0x2;
	s16 =	sadd.s32 $0x400, s13  }
0x34: {  	[tilespmem:s16], [sflag:$0x1] =	stream.indirect_vreg.gather [hbm:s2], $0x80, v0, vm1, $0x38;
	[tilespmem:$0x4080] =	vst v63  }
0x35: {  	s14 =	sadd.s32 $0x40, s14;
	v0 =	vld.msk [tilespmem:s15+$0x40 ss:$0x1], $0xffff  }
0x36: {  	_ =	sdelay $0x3  }
0x37: {  	v1 =	vshll.u32 v0, $0x6  }
0x38: {  	vm2 =	veq.s32 v0, $0x80000000;
	v63 =	vshll.u32 v0, $0x15;
	v1 =	vand.u32 $0x1FFF80, v1  }
0x39: {  	v0 =	vand.u32 $0x200000, v63;
	v1 =	vsel vm2, $0xFFFFFF80, v1  }
0x3a: {  	v0 =	vsel vm2, $0xFFE00000, v0;
	v2 =	vand.u32 $0xFFFFFC00, v1  }
0x3b: {  	v1 =	vand.u32 $0x380, v1;
	v0 =	vadd.s32 v0, v2  }
0x3c: {  	v0 =	vor.u32 v1, v0  }
0x3d: {  	v0 =	vshrl.u32 v0, $0x3;
	_ =	sdelay $0x3  }
0x3e: {  	s13 =	sadd.s32 $0x800, s13  }
0x3f: {  	[tilespmem:s13], [sflag:$0x1] =	stream.indirect_vreg.gather [hbm:s2], $0x80, v0, vm0, $0x38;
	[tilespmem:$0x4080] =	vst v63  }
0x40: {  	s13 =	sadd.s32 $0x400, s13  }
0x41: {  	[tilespmem:s13], [sflag:$0x1] =	stream.indirect_vreg.gather [hbm:s2], $0x80, v0, vm1, $0x38;
	[tilespmem:$0x4080] =	vst v63  }
0x42: {  	s12 =	sshll.u32 s12, $0x4;
	s14 =	simm.s32 $0x80;
	_ =	swait.ge [sflag:s4], $0x2000  }
0x43: {  	s15 =	simm.s32 $0x2480;
	s12 =	sadd.s32 s12, s7;
	[sflag:s4] =	ssyncset.done $0x0  }
0x44: {  	s16 =	sadd.s32 $0x0, s12;
	s13 =	simm.s32 $0x2080;
	[sflag:s4] =	ssyncadd.s32 $0xFFFFE000  }
.LBB2_7:
0x45: {  	[hbm:s16] =	stream.linear.scatter [tilespmem:s13], [sflag:$0x3], $0x400, $0x38;
	[tilespmem:$0x4080] =	vst v63  }
0x46: {  	s16 =	smov.u32 s14;
	s13 =	smov.u32 s15;
	p0 =	sne.s32 s14, $0x380  }
.Ltmp5:
0x47: {  	s14 =	sadd.s32 $0x80, s14;
	(pc) =	sbr.rel @p0 .LBB2_7-.Ltmp5, $2  }
0x48: {  	_ =	sdelay $0x2  }
0x49: {  	s15 =	sadd.s32 $0x400, s15;
	s16 =	sadd.s32 s16, s12  }
.Ltmp6:
0x4a: {  	(pc) =	sbr.rel .LBB2_9-.Ltmp6, $2  }
0x4b: {  	_ =	sdelay $0x2  }
0x4c: {  	[hbm:s16] =	stream.linear.scatter [tilespmem:s13], [sflag:$0x3], $0x400, $0x38;
	[tilespmem:$0x4080] =	vst v63  }
.LBB2_2:
.Ltmp7:
0x4d: {  	(pc) =	sbr.rel .LBB2_10-.Ltmp7, $4  }
0x4e: {  	_ = 	snop  }
0x4f: {  	s12 =	sshrl.u32 s11, $0x3  }
0x50: {  	s13 =	sand.u32 $0x7, s11;
	s12 =	sadd.s32 s3, s12  }
0x51: {  	[tilespmem:s9], [sflag:$0x2] =	stream.linear.gather [hbm4b:s12+s13], $0x40, $0x38;
	[tilespmem:$0x4080] =	vst v63  }
.LBB2_11:
0x52: {  	s2 =	simm.s32 $0x3  }
0x53: {  	_ =	swait.ge [sflag:s2], $0x2000  }
0x54: {  	[sflag:s2] =	ssyncset.done $0x0  }
0x55: {  	[sflag:s2] =	ssyncadd.s32 $0xFFFFE000  }
0x56: {  	_ =	sfence.sel $0x180000  }
0x57: {  	s3 =	simm.s32 $0x2;
	[bflag:$0x0] =	sbarrier.arrive $0xFFFF  }
0x58: {  	[sflag:s3] =	ssyncpa.u1 $0x1  }
0x59: {  	s31 =	simm.s32 $0x1;
	[sflag:s2] =	ssyncpa.u1 $0x1  }
0x5a: {  	[sflag:s31] =	ssyncpa.u1 $0x1  }
0x5b: {  	p0 =	sne.s32 s1, $0x0;
	_ =	strace $0x90000047  }
0x5c: {  	s0 =	sadd.s32 @!p0 $0x100000, s0;
	[bflag:$0x2] =	sbarrier.arrive $0xFFFF  }
0x5d: {  	[sflag:s0] =	ssyncadd.tile.s32 @!p0 $0x1;
	_ =	shalt  }
.Lfunc_end2:
_tile_overlayer_lowered:
.L_overlay_start_2:
0x5e: {  	(tag) =	ssettag $0x2  }
0x5f: {  	s0 =	rddreg [dreg:$0x0];
	s2 =	stileid.u32  }
0x60: {  	s1 =	rddreg [dreg:$0x1];
	p0 =	sne.s32 s2, $0x0  }
0x61: {  	s3 =	rddreg [dreg:$0x2];
	[bflag:$0x3] =	sbarrier.arrive $0xFFFF;
	s2 =	simm.s32 @!p0 $0x1C01  }
0x62: {  	[timem:s3], [sflag:s2] =	dma.local @!p0 [hbm:s0], s1  }
0x63: {  	s0 =	simm.s32 @!p0 $0x1  }
0x64: {  	_ =	swait.ge @!p0 [sflag:s0], s1  }
0x65: {  	s1 =	ssub.s32 @!p0 $0x0, s1;
	[sflag:s0] =	ssyncset.done @!p0 $0x0  }
0x66: {  	[sflag:s0] =	ssyncadd.s32 @!p0 s1  }
0x67: {  	[bflag:$0x3] =	sbarrier.arrive $0xFFFF  }
0x68: {  	_ =	shalt  }

</sc_bundles>
